<compile_context>
chip_gen: v7x
topology: tpu7x:2x2x1
jax: 0.10.2.dev20260603
libtpu: 0.0.44.dev20260713+nightly
codegen_flags: <defaults>
</compile_context>

<pallas_src>
import functools

import jax
import jax.numpy as jnp
from jax import lax
from jax.experimental import pallas as pl
from jax.experimental.pallas import tpu as pltpu
from jax.experimental.pallas import tpu_sc as plsc

EMB = 50
WPAD = 64
NC, NS = 2, 16
NW = NC * NS
IDX_TILE = 128
TILES_PER_CHUNK = 4
CHUNK = IDX_TILE * TILES_PER_CHUNK
NBUF = 2
L = 16


@functools.cache
def _make(B):
    assert B % (NW * CHUNK * NBUF) == 0
    b_per_w = B // NW
    n_chunks = b_per_w // CHUNK
    mesh = plsc.VectorSubcoreMesh(core_axis_name="c", subcore_axis_name="s")

    @functools.partial(
        pl.kernel,
        mesh=mesh,
        out_type=jax.ShapeDtypeStruct((B, EMB), jnp.float32),
        compiler_params=pltpu.CompilerParams(use_tc_tiling_on_sc=False),
        scratch_types=[
            pltpu.VMEM((NBUF, TILES_PER_CHUNK, IDX_TILE), jnp.int32),
            pltpu.VMEM((NBUF, CHUNK, WPAD), jnp.float32),
            pltpu.VMEM((NBUF, CHUNK, EMB), jnp.float32),
            pltpu.VMEM_SHARED((128, WPAD), jnp.float32),
            pltpu.SemaphoreType.DMA,
            pltpu.SemaphoreType.DMA,
        ],
    )
    def k(batch_hbm, table_hbm, out_hbm, idx_v, rows_v, dense_v, table_sh,
          sem_g, sem_o):
        s = lax.axis_index("s")
        wid = s * NC + lax.axis_index("c")
        w0 = wid * b_per_w

        @pl.when(s == 0)
        def _():
            pltpu.sync_copy(table_hbm, table_sh)

        plsc.subcore_barrier()

        def fire_gathers(i, b):
            rowbase = (w0 + i * CHUNK) // IDX_TILE
            pltpu.sync_copy(
                batch_hbm.at[pl.ds(rowbase, TILES_PER_CHUNK)], idx_v.at[b])
            for j in range(TILES_PER_CHUNK):
                pltpu.make_async_copy(
                    table_sh.at[idx_v.at[b].at[j]],
                    rows_v.at[b].at[pl.ds(j * IDX_TILE, IDX_TILE)],
                    sem_g,
                ).start()

        def wait_gathers(b):
            for j in range(TILES_PER_CHUNK):
                pltpu.make_async_copy(
                    table_sh.at[idx_v.at[b].at[j]],
                    rows_v.at[b].at[pl.ds(j * IDX_TILE, IDX_TILE)],
                    sem_g,
                ).wait()

        def out_copy(i, b):
            return pltpu.make_async_copy(
                dense_v.at[b], out_hbm.at[pl.ds(w0 + i * CHUNK, CHUNK)], sem_o)

        def process(i, b):
            wait_gathers(b)

            @plsc.parallel_loop(0, CHUNK, unroll=4)
            def _row(r):
                for off in (0, 16, 32, 34):
                    dense_v[b, r, pl.ds(off, L)] = rows_v[b, r, pl.ds(off, L)]

            out_copy(i, b).start()

        fire_gathers(0, 0)

        def step(t, carry):
            i0 = t * 2

            fire_gathers(i0 + 1, 1)

            @pl.when(t > 0)
            def _():
                out_copy(i0 - 2, 0).wait()

            process(i0, 0)

            @pl.when(i0 + 2 < n_chunks)
            def _():
                fire_gathers(i0 + 2, 0)

            @pl.when(t > 0)
            def _():
                out_copy(i0 - 1, 1).wait()

            process(i0 + 1, 1)
            return carry

        lax.fori_loop(0, n_chunks // 2, step, 0)
        out_copy(n_chunks - 2, 0).wait()
        out_copy(n_chunks - 1, 1).wait()

    return k


def kernel(batch, table):
    R, C = batch.shape
    B = R * C
    flat = batch.reshape(B // IDX_TILE, IDX_TILE).astype(jnp.int32)
    tpad = jnp.zeros((table.shape[0], WPAD), jnp.float32).at[:, :EMB].set(table)
    out = _make(B)(flat, tpad)
    return out.reshape(R, C, EMB)

# --- scband reference (transcript-rebuilt; emitter-appended) ---
"""Pipeline reference for scband-ascii-embedded-encoding-20581483282816 (READ-ONLY COPY).

The authoritative reference and input builder live on the scoring server;
editing this copy changes nothing except your own understanding.
"""

import jax, jax.numpy as jnp
import numpy as np

NUM_ASCII = 128
EMBEDDING_SIZE = 50
PADDING_INDEX = 0

def setup_inputs(seed: int = 0) -> dict:
    key = jax.random.key(seed)
    k1, k2 = jax.random.split(key)
    batch = jax.random.randint(k1, (16384, 200), 0, NUM_ASCII, dtype=jnp.int64 if jax.config.jax_enable_x64 else jnp.int32)
    table = jax.random.normal(k2, (NUM_ASCII, EMBEDDING_SIZE), dtype=jnp.float32)
    # nn.Embedding with padding_idx zero-initializes the padding row
    table = table.at[PADDING_INDEX].set(0.0)
    return {"batch": batch, "table": table}

def reference(batch, table):
    # AsciiEmbeddedEncoding.encode_tensor_indices / embed: self.ascii_embedding(batch)
    return jnp.take(table, batch, axis=0)

if __name__ == "__main__":
    import jax
    _d = setup_inputs()
    print(jax.jit(kernel)(*tuple(_d.values())))

</pallas_src>

<mosaic_0001>
#map = affine_map<(d0, d1) -> (0, 0)>
module attributes {stable_mosaic.version = 14 : i64} {
  func.func @k(%arg0: i32, %arg1: i32, %arg2: memref<25600x128xi32, #tpu.memory_space<hbm>>, %arg3: memref<128x64xf32, #tpu.memory_space<hbm>>, %arg4: memref<3276800x50xf32, #tpu.memory_space<hbm>>, %arg5: memref<2x4x128xi32, #tpu.memory_space<vmem>>, %arg6: memref<2x512x64xf32, #tpu.memory_space<vmem>>, %arg7: memref<2x512x50xf32, #tpu.memory_space<vmem>>, %arg8: memref<128x64xf32, #tpu.memory_space<vmem_shared>>, %arg9: memref<!tpu.dma_semaphore, #tpu.memory_space<semaphore_mem>>, %arg10: memref<!tpu.dma_semaphore, #tpu.memory_space<semaphore_mem>>) attributes {dimension_semantics = [#tpu.dimension_semantics<core_parallel>, #tpu.dimension_semantics<subcore_parallel>], iteration_bounds = array<i64: 2, 16>, scalar_prefetch = 0 : i64, scratch_operands = 6 : i64, tpu.core_type = #tpu.core_type<sc_vector_subcore>, window_params = [{transform_indices = #map}, {transform_indices = #map}, {transform_indices = #map}]} {
    %mul3A = arith.constant 2 : i32
    %mul3A_0 = arith.muli %arg1, %mul3A : i32
    %add3A = arith.addi %mul3A_0, %arg0 : i32
    %mul3A_1 = arith.constant 102400 : i32
    %mul3A_2 = arith.muli %add3A, %mul3A_1 : i32
    %eq3A = arith.constant 0 : i32
    %eq3A_3 = arith.cmpi eq, %arg1, %eq3A : i32
    %convert_element_type3A = arith.extui %eq3A_3 : i1 to i32
    %cond3A = arith.constant 0 : i32
    %cond3A_4 = arith.cmpi ne, %convert_element_type3A, %cond3A : i32
    scf.if %cond3A_4 {
      "tpu.region"() ({
        %run_scoped3A_136 = tpu.sem_alloc : memref<!tpu.dma_semaphore, #tpu.memory_space<semaphore_mem>>
        tpu.enqueue_dma source(%arg3 : memref<128x64xf32, #tpu.memory_space<hbm>>) target(%arg8 : memref<128x64xf32, #tpu.memory_space<vmem_shared>>) target_semaphore(%run_scoped3A_136 : memref<!tpu.dma_semaphore, #tpu.memory_space<semaphore_mem>>)
        tpu.wait_dma2 semaphore(%run_scoped3A_136 : memref<!tpu.dma_semaphore, #tpu.memory_space<semaphore_mem>>) src(%arg3 : memref<128x64xf32, #tpu.memory_space<hbm>>) dst(%arg8 : memref<128x64xf32, #tpu.memory_space<vmem_shared>>)
        tpu.yield
      }) : () -> ()
    } else {
    }
    %barrier3A = arith.constant 0 : index
    tpu.barrier barrier_id(%barrier3A)
    %add3A_5 = arith.constant 0 : i32
    %add3A_6 = arith.addi %mul3A_2, %add3A_5 : i32
    %jit3A = arith.constant 128 : i32
    %div3A = arith.divsi %add3A_6, %jit3A : i32
    %sign3A = arith.constant 0 : i32
    %sign3A_7 = arith.cmpi sgt, %add3A_6, %sign3A : i32
    %sign3A_8 = arith.extui %sign3A_7 : i1 to i32
    %sign3A_9 = arith.constant 0 : i32
    %sign3A_10 = arith.cmpi slt, %add3A_6, %sign3A_9 : i32
    %sign3A_11 = arith.extui %sign3A_10 : i1 to i32
    %sign3A_12 = arith.subi %sign3A_8, %sign3A_11 : i32
    %sign3A_13 = arith.constant 0 : i32
    %sign3A_14 = arith.cmpi sgt, %jit3A, %sign3A_13 : i32
    %sign3A_15 = arith.extui %sign3A_14 : i1 to i32
    %sign3A_16 = arith.constant 0 : i32
    %sign3A_17 = arith.cmpi slt, %jit3A, %sign3A_16 : i32
    %sign3A_18 = arith.extui %sign3A_17 : i1 to i32
    %sign3A_19 = arith.subi %sign3A_15, %sign3A_18 : i32
    %ne3A = arith.cmpi ne, %sign3A_12, %sign3A_19 : i32
    %rem3A = arith.remsi %add3A_6, %jit3A : i32
    %ne3A_20 = arith.constant 0 : i32
    %ne3A_21 = arith.cmpi ne, %rem3A, %ne3A_20 : i32
    %and3A = arith.andi %ne3A, %ne3A_21 : i1
    %sub3A = arith.constant 1 : i32
    %sub3A_22 = arith.subi %div3A, %sub3A : i32
    %select_n3A = arith.select %and3A, %sub3A_22, %div3A : i32
    %run_scoped3A = arith.constant 0 : i32
    "tpu.region"() ({
      %run_scoped3A_136 = tpu.sem_alloc : memref<!tpu.dma_semaphore, #tpu.memory_space<semaphore_mem>>
      %dma_start3A_137 = arith.constant 0 : i32
      %dma_start3A_138 = arith.constant 0 : i32
      %dma_start3A_139 = tpu.memref_slice %arg5[%run_scoped3A, %dma_start3A_137, %dma_start3A_138] : memref<2x4x128xi32, #tpu.memory_space<vmem>> -> memref<1x4x128xi32, #tpu.memory_space<vmem>>
      %dma_start3A_140 = tpu.memref_squeeze %dma_start3A_139 : memref<1x4x128xi32, #tpu.memory_space<vmem>> -> memref<4x128xi32, #tpu.memory_space<vmem>>
      %dma_start3A_141 = arith.constant 0 : i32
      %dma_start3A_142 = tpu.memref_slice %arg2[%select_n3A, %dma_start3A_141] : memref<25600x128xi32, #tpu.memory_space<hbm>> -> memref<4x128xi32, #tpu.memory_space<hbm>>
      %dma_start3A_143 = arith.constant 0 : i32
      %dma_start3A_144 = arith.constant 0 : i32
      %dma_start3A_145 = tpu.memref_slice %arg5[%run_scoped3A, %dma_start3A_143, %dma_start3A_144] : memref<2x4x128xi32, #tpu.memory_space<vmem>> -> memref<1x4x128xi32, #tpu.memory_space<vmem>>
      %dma_start3A_146 = tpu.memref_squeeze %dma_start3A_145 : memref<1x4x128xi32, #tpu.memory_space<vmem>> -> memref<4x128xi32, #tpu.memory_space<vmem>>
      %dma_start3A_147 = arith.constant 0 : i32
      %dma_start3A_148 = tpu.memref_slice %arg2[%select_n3A, %dma_start3A_147] : memref<25600x128xi32, #tpu.memory_space<hbm>> -> memref<4x128xi32, #tpu.memory_space<hbm>>
      tpu.enqueue_dma source(%dma_start3A_148 : memref<4x128xi32, #tpu.memory_space<hbm>>) target(%dma_start3A_146 : memref<4x128xi32, #tpu.memory_space<vmem>>) target_semaphore(%run_scoped3A_136 : memref<!tpu.dma_semaphore, #tpu.memory_space<semaphore_mem>>)
      %dma_wait3A_149 = arith.constant 0 : i32
      %dma_wait3A_150 = arith.constant 0 : i32
      %dma_wait3A_151 = tpu.memref_slice %arg5[%run_scoped3A, %dma_wait3A_149, %dma_wait3A_150] : memref<2x4x128xi32, #tpu.memory_space<vmem>> -> memref<1x4x128xi32, #tpu.memory_space<vmem>>
      %dma_wait3A_152 = tpu.memref_squeeze %dma_wait3A_151 : memref<1x4x128xi32, #tpu.memory_space<vmem>> -> memref<4x128xi32, #tpu.memory_space<vmem>>
      %dma_wait3A_153 = arith.constant 0 : i32
      %dma_wait3A_154 = tpu.memref_slice %arg2[%select_n3A, %dma_wait3A_153] : memref<25600x128xi32, #tpu.memory_space<hbm>> -> memref<4x128xi32, #tpu.memory_space<hbm>>
      %dma_wait3A_155 = arith.constant 0 : i32
      %dma_wait3A_156 = arith.constant 0 : i32
      %dma_wait3A_157 = tpu.memref_slice %arg5[%run_scoped3A, %dma_wait3A_155, %dma_wait3A_156] : memref<2x4x128xi32, #tpu.memory_space<vmem>> -> memref<1x4x128xi32, #tpu.memory_space<vmem>>
      %dma_wait3A_158 = tpu.memref_squeeze %dma_wait3A_157 : memref<1x4x128xi32, #tpu.memory_space<vmem>> -> memref<4x128xi32, #tpu.memory_space<vmem>>
      %dma_wait3A_159 = arith.constant 0 : i32
      %dma_wait3A_160 = tpu.memref_slice %arg2[%select_n3A, %dma_wait3A_159] : memref<25600x128xi32, #tpu.memory_space<hbm>> -> memref<4x128xi32, #tpu.memory_space<hbm>>
      tpu.wait_dma2 semaphore(%run_scoped3A_136 : memref<!tpu.dma_semaphore, #tpu.memory_space<semaphore_mem>>) src(%dma_wait3A_160 : memref<4x128xi32, #tpu.memory_space<hbm>>) dst(%dma_wait3A_158 : memref<4x128xi32, #tpu.memory_space<vmem>>)
      tpu.yield
    }) : () -> ()
    %dma_start3A = arith.constant 0 : i32
    %dma_start3A_23 = arith.constant 0 : i32
    %dma_start3A_24 = arith.constant 0 : i32
    %dma_start3A_25 = arith.constant 0 : i32
    %dma_start3A_26 = arith.constant 0 : i32
    %dma_start3A_27 = tpu.memref_slice %arg6[%dma_start3A_24, %dma_start3A_25, %dma_start3A_26] : memref<2x512x64xf32, #tpu.memory_space<vmem>> -> memref<1x512x64xf32, #tpu.memory_space<vmem>>
    %dma_start3A_28 = tpu.memref_squeeze %dma_start3A_27 : memref<1x512x64xf32, #tpu.memory_space<vmem>> -> memref<512x64xf32, #tpu.memory_space<vmem>>
    %dma_start3A_29 = arith.constant 0 : i32
    %dma_start3A_30 = arith.constant 0 : i32
    %dma_start3A_31 = tpu.memref_slice %dma_start3A_28[%dma_start3A_29, %dma_start3A_30] : memref<512x64xf32, #tpu.memory_space<vmem>> -> memref<128x64xf32, #tpu.memory_space<vmem>>
    %dma_start3A_32 = arith.constant 0 : i32
    %dma_start3A_33 = arith.constant 0 : i32
    %dma_start3A_34 = tpu.memref_slice %arg5[%dma_start3A, %dma_start3A_32, %dma_start3A_33] : memref<2x4x128xi32, #tpu.memory_space<vmem>> -> memref<1x4x128xi32, #tpu.memory_space<vmem>>
    %dma_start3A_35 = tpu.memref_squeeze %dma_start3A_34 : memref<1x4x128xi32, #tpu.memory_space<vmem>> -> memref<4x128xi32, #tpu.memory_space<vmem>>
    %dma_start3A_36 = arith.constant 0 : i32
    %dma_start3A_37 = tpu.memref_slice %dma_start3A_35[%dma_start3A_23, %dma_start3A_36] : memref<4x128xi32, #tpu.memory_space<vmem>> -> memref<1x128xi32, #tpu.memory_space<vmem>>
    %dma_start3A_38 = tpu.memref_squeeze %dma_start3A_37 : memref<1x128xi32, #tpu.memory_space<vmem>> -> memref<128xi32, #tpu.memory_space<vmem>>
    %dma_start3A_39 = arith.constant 0 : i32
    %dma_start3A_40 = arith.constant 0 : i32
    %dma_start3A_41 = tpu.memref_slice %arg8[%dma_start3A_39, %dma_start3A_40] : memref<128x64xf32, #tpu.memory_space<vmem_shared>> -> memref<128x64xf32, #tpu.memory_space<vmem_shared>>
    tpu.enqueue_indirect_dma source(%dma_start3A_41 : memref<128x64xf32, #tpu.memory_space<vmem_shared>>) target(%dma_start3A_31 : memref<128x64xf32, #tpu.memory_space<vmem>>) offsets(%dma_start3A_38 : memref<128xi32, #tpu.memory_space<vmem>>) semaphore(%arg9 : memref<!tpu.dma_semaphore, #tpu.memory_space<semaphore_mem>>)
    %dma_start3A_42 = arith.constant 0 : i32
    %dma_start3A_43 = arith.constant 1 : i32
    %dma_start3A_44 = arith.constant 0 : i32
    %dma_start3A_45 = arith.constant 0 : i32
    %dma_start3A_46 = arith.constant 0 : i32
    %dma_start3A_47 = tpu.memref_slice %arg6[%dma_start3A_44, %dma_start3A_45, %dma_start3A_46] : memref<2x512x64xf32, #tpu.memory_space<vmem>> -> memref<1x512x64xf32, #tpu.memory_space<vmem>>
    %dma_start3A_48 = tpu.memref_squeeze %dma_start3A_47 : memref<1x512x64xf32, #tpu.memory_space<vmem>> -> memref<512x64xf32, #tpu.memory_space<vmem>>
    %dma_start3A_49 = arith.constant 128 : i32
    %dma_start3A_50 = arith.constant 0 : i32
    %dma_start3A_51 = tpu.memref_slice %dma_start3A_48[%dma_start3A_49, %dma_start3A_50] : memref<512x64xf32, #tpu.memory_space<vmem>> -> memref<128x64xf32, #tpu.memory_space<vmem>>
    %dma_start3A_52 = arith.constant 0 : i32
    %dma_start3A_53 = arith.constant 0 : i32
    %dma_start3A_54 = tpu.memref_slice %arg5[%dma_start3A_42, %dma_start3A_52, %dma_start3A_53] : memref<2x4x128xi32, #tpu.memory_space<vmem>> -> memref<1x4x128xi32, #tpu.memory_space<vmem>>
    %dma_start3A_55 = tpu.memref_squeeze %dma_start3A_54 : memref<1x4x128xi32, #tpu.memory_space<vmem>> -> memref<4x128xi32, #tpu.memory_space<vmem>>
    %dma_start3A_56 = arith.constant 0 : i32
    %dma_start3A_57 = tpu.memref_slice %dma_start3A_55[%dma_start3A_43, %dma_start3A_56] : memref<4x128xi32, #tpu.memory_space<vmem>> -> memref<1x128xi32, #tpu.memory_space<vmem>>
    %dma_start3A_58 = tpu.memref_squeeze %dma_start3A_57 : memref<1x128xi32, #tpu.memory_space<vmem>> -> memref<128xi32, #tpu.memory_space<vmem>>
    %dma_start3A_59 = arith.constant 0 : i32
    %dma_start3A_60 = arith.constant 0 : i32
    %dma_start3A_61 = tpu.memref_slice %arg8[%dma_start3A_59, %dma_start3A_60] : memref<128x64xf32, #tpu.memory_space<vmem_shared>> -> memref<128x64xf32, #tpu.memory_space<vmem_shared>>
    tpu.enqueue_indirect_dma source(%dma_start3A_61 : memref<128x64xf32, #tpu.memory_space<vmem_shared>>) target(%dma_start3A_51 : memref<128x64xf32, #tpu.memory_space<vmem>>) offsets(%dma_start3A_58 : memref<128xi32, #tpu.memory_space<vmem>>) semaphore(%arg9 : memref<!tpu.dma_semaphore, #tpu.memory_space<semaphore_mem>>)
    %dma_start3A_62 = arith.constant 0 : i32
    %dma_start3A_63 = arith.constant 2 : i32
    %dma_start3A_64 = arith.constant 0 : i32
    %dma_start3A_65 = arith.constant 0 : i32
    %dma_start3A_66 = arith.constant 0 : i32
    %dma_start3A_67 = tpu.memref_slice %arg6[%dma_start3A_64, %dma_start3A_65, %dma_start3A_66] : memref<2x512x64xf32, #tpu.memory_space<vmem>> -> memref<1x512x64xf32, #tpu.memory_space<vmem>>
    %dma_start3A_68 = tpu.memref_squeeze %dma_start3A_67 : memref<1x512x64xf32, #tpu.memory_space<vmem>> -> memref<512x64xf32, #tpu.memory_space<vmem>>
    %dma_start3A_69 = arith.constant 256 : i32
    %dma_start3A_70 = arith.constant 0 : i32
    %dma_start3A_71 = tpu.memref_slice %dma_start3A_68[%dma_start3A_69, %dma_start3A_70] : memref<512x64xf32, #tpu.memory_space<vmem>> -> memref<128x64xf32, #tpu.memory_space<vmem>>
    %dma_start3A_72 = arith.constant 0 : i32
    %dma_start3A_73 = arith.constant 0 : i32
    %dma_start3A_74 = tpu.memref_slice %arg5[%dma_start3A_62, %dma_start3A_72, %dma_start3A_73] : memref<2x4x128xi32, #tpu.memory_space<vmem>> -> memref<1x4x128xi32, #tpu.memory_space<vmem>>
    %dma_start3A_75 = tpu.memref_squeeze %dma_start3A_74 : memref<1x4x128xi32, #tpu.memory_space<vmem>> -> memref<4x128xi32, #tpu.memory_space<vmem>>
    %dma_start3A_76 = arith.constant 0 : i32
    %dma_start3A_77 = tpu.memref_slice %dma_start3A_75[%dma_start3A_63, %dma_start3A_76] : memref<4x128xi32, #tpu.memory_space<vmem>> -> memref<1x128xi32, #tpu.memory_space<vmem>>
    %dma_start3A_78 = tpu.memref_squeeze %dma_start3A_77 : memref<1x128xi32, #tpu.memory_space<vmem>> -> memref<128xi32, #tpu.memory_space<vmem>>
    %dma_start3A_79 = arith.constant 0 : i32
    %dma_start3A_80 = arith.constant 0 : i32
    %dma_start3A_81 = tpu.memref_slice %arg8[%dma_start3A_79, %dma_start3A_80] : memref<128x64xf32, #tpu.memory_space<vmem_shared>> -> memref<128x64xf32, #tpu.memory_space<vmem_shared>>
    tpu.enqueue_indirect_dma source(%dma_start3A_81 : memref<128x64xf32, #tpu.memory_space<vmem_shared>>) target(%dma_start3A_71 : memref<128x64xf32, #tpu.memory_space<vmem>>) offsets(%dma_start3A_78 : memref<128xi32, #tpu.memory_space<vmem>>) semaphore(%arg9 : memref<!tpu.dma_semaphore, #tpu.memory_space<semaphore_mem>>)
    %dma_start3A_82 = arith.constant 0 : i32
    %dma_start3A_83 = arith.constant 3 : i32
    %dma_start3A_84 = arith.constant 0 : i32
    %dma_start3A_85 = arith.constant 0 : i32
    %dma_start3A_86 = arith.constant 0 : i32
    %dma_start3A_87 = tpu.memref_slice %arg6[%dma_start3A_84, %dma_start3A_85, %dma_start3A_86] : memref<2x512x64xf32, #tpu.memory_space<vmem>> -> memref<1x512x64xf32, #tpu.memory_space<vmem>>
    %dma_start3A_88 = tpu.memref_squeeze %dma_start3A_87 : memref<1x512x64xf32, #tpu.memory_space<vmem>> -> memref<512x64xf32, #tpu.memory_space<vmem>>
    %dma_start3A_89 = arith.constant 384 : i32
    %dma_start3A_90 = arith.constant 0 : i32
    %dma_start3A_91 = tpu.memref_slice %dma_start3A_88[%dma_start3A_89, %dma_start3A_90] : memref<512x64xf32, #tpu.memory_space<vmem>> -> memref<128x64xf32, #tpu.memory_space<vmem>>
    %dma_start3A_92 = arith.constant 0 : i32
    %dma_start3A_93 = arith.constant 0 : i32
    %dma_start3A_94 = tpu.memref_slice %arg5[%dma_start3A_82, %dma_start3A_92, %dma_start3A_93] : memref<2x4x128xi32, #tpu.memory_space<vmem>> -> memref<1x4x128xi32, #tpu.memory_space<vmem>>
    %dma_start3A_95 = tpu.memref_squeeze %dma_start3A_94 : memref<1x4x128xi32, #tpu.memory_space<vmem>> -> memref<4x128xi32, #tpu.memory_space<vmem>>
    %dma_start3A_96 = arith.constant 0 : i32
    %dma_start3A_97 = tpu.memref_slice %dma_start3A_95[%dma_start3A_83, %dma_start3A_96] : memref<4x128xi32, #tpu.memory_space<vmem>> -> memref<1x128xi32, #tpu.memory_space<vmem>>
    %dma_start3A_98 = tpu.memref_squeeze %dma_start3A_97 : memref<1x128xi32, #tpu.memory_space<vmem>> -> memref<128xi32, #tpu.memory_space<vmem>>
    %dma_start3A_99 = arith.constant 0 : i32
    %dma_start3A_100 = arith.constant 0 : i32
    %dma_start3A_101 = tpu.memref_slice %arg8[%dma_start3A_99, %dma_start3A_100] : memref<128x64xf32, #tpu.memory_space<vmem_shared>> -> memref<128x64xf32, #tpu.memory_space<vmem_shared>>
    tpu.enqueue_indirect_dma source(%dma_start3A_101 : memref<128x64xf32, #tpu.memory_space<vmem_shared>>) target(%dma_start3A_91 : memref<128x64xf32, #tpu.memory_space<vmem>>) offsets(%dma_start3A_98 : memref<128xi32, #tpu.memory_space<vmem>>) semaphore(%arg9 : memref<!tpu.dma_semaphore, #tpu.memory_space<semaphore_mem>>)
    %scan3A = arith.constant 0 : i32
    %scan3A_102 = arith.constant 0 : i32
    %scan3A_103 = arith.constant 100 : i32
    %scan3A_104 = arith.addi %scan3A_102, %scan3A_103 : i32
    %scan3A_105 = arith.constant 1 : i32
    scf.for %scan3A_136 = %scan3A_102 to %scan3A_104 step %scan3A_105  : i32 {
      %mul3A_137 = arith.constant 2 : i32
      %mul3A_138 = arith.muli %scan3A_136, %mul3A_137 : i32
      %add3A_139 = arith.constant 1 : i32
      %add3A_140 = arith.addi %mul3A_138, %add3A_139 : i32
      %mul3A_141 = arith.constant 512 : i32
      %mul3A_142 = arith.muli %add3A_140, %mul3A_141 : i32
      %add3A_143 = arith.addi %mul3A_2, %mul3A_142 : i32
      %jit3A_144 = arith.constant 128 : i32
      %div3A_145 = arith.divsi %add3A_143, %jit3A_144 : i32
      %sign3A_146 = arith.constant 0 : i32
      %sign3A_147 = arith.cmpi sgt, %add3A_143, %sign3A_146 : i32
      %sign3A_148 = arith.extui %sign3A_147 : i1 to i32
      %sign3A_149 = arith.constant 0 : i32
      %sign3A_150 = arith.cmpi slt, %add3A_143, %sign3A_149 : i32
      %sign3A_151 = arith.extui %sign3A_150 : i1 to i32
      %sign3A_152 = arith.subi %sign3A_148, %sign3A_151 : i32
      %sign3A_153 = arith.constant 0 : i32
      %sign3A_154 = arith.cmpi sgt, %jit3A_144, %sign3A_153 : i32
      %sign3A_155 = arith.extui %sign3A_154 : i1 to i32
      %sign3A_156 = arith.constant 0 : i32
      %sign3A_157 = arith.cmpi slt, %jit3A_144, %sign3A_156 : i32
      %sign3A_158 = arith.extui %sign3A_157 : i1 to i32
      %sign3A_159 = arith.subi %sign3A_155, %sign3A_158 : i32
      %ne3A_160 = arith.cmpi ne, %sign3A_152, %sign3A_159 : i32
      %rem3A_161 = arith.remsi %add3A_143, %jit3A_144 : i32
      %ne3A_162 = arith.constant 0 : i32
      %ne3A_163 = arith.cmpi ne, %rem3A_161, %ne3A_162 : i32
      %and3A_164 = arith.andi %ne3A_160, %ne3A_163 : i1
      %sub3A_165 = arith.constant 1 : i32
      %sub3A_166 = arith.subi %div3A_145, %sub3A_165 : i32
      %select_n3A_167 = arith.select %and3A_164, %sub3A_166, %div3A_145 : i32
      %run_scoped3A_168 = arith.constant 1 : i32
      "tpu.region"() ({
        %run_scoped3A_463 = tpu.sem_alloc : memref<!tpu.dma_semaphore, #tpu.memory_space<semaphore_mem>>
        %dma_start3A_464 = arith.constant 0 : i32
        %dma_start3A_465 = arith.constant 0 : i32
        %dma_start3A_466 = tpu.memref_slice %arg5[%run_scoped3A_168, %dma_start3A_464, %dma_start3A_465] : memref<2x4x128xi32, #tpu.memory_space<vmem>> -> memref<1x4x128xi32, #tpu.memory_space<vmem>>
        %dma_start3A_467 = tpu.memref_squeeze %dma_start3A_466 : memref<1x4x128xi32, #tpu.memory_space<vmem>> -> memref<4x128xi32, #tpu.memory_space<vmem>>
        %dma_start3A_468 = arith.constant 0 : i32
        %dma_start3A_469 = tpu.memref_slice %arg2[%select_n3A_167, %dma_start3A_468] : memref<25600x128xi32, #tpu.memory_space<hbm>> -> memref<4x128xi32, #tpu.memory_space<hbm>>
        %dma_start3A_470 = arith.constant 0 : i32
        %dma_start3A_471 = arith.constant 0 : i32
        %dma_start3A_472 = tpu.memref_slice %arg5[%run_scoped3A_168, %dma_start3A_470, %dma_start3A_471] : memref<2x4x128xi32, #tpu.memory_space<vmem>> -> memref<1x4x128xi32, #tpu.memory_space<vmem>>
        %dma_start3A_473 = tpu.memref_squeeze %dma_start3A_472 : memref<1x4x128xi32, #tpu.memory_space<vmem>> -> memref<4x128xi32, #tpu.memory_space<vmem>>
        %dma_start3A_474 = arith.constant 0 : i32
        %dma_start3A_475 = tpu.memref_slice %arg2[%select_n3A_167, %dma_start3A_474] : memref<25600x128xi32, #tpu.memory_space<hbm>> -> memref<4x128xi32, #tpu.memory_space<hbm>>
        tpu.enqueue_dma source(%dma_start3A_475 : memref<4x128xi32, #tpu.memory_space<hbm>>) target(%dma_start3A_473 : memref<4x128xi32, #tpu.memory_space<vmem>>) target_semaphore(%run_scoped3A_463 : memref<!tpu.dma_semaphore, #tpu.memory_space<semaphore_mem>>)
        %dma_wait3A_476 = arith.constant 0 : i32
        %dma_wait3A_477 = arith.constant 0 : i32
        %dma_wait3A_478 = tpu.memref_slice %arg5[%run_scoped3A_168, %dma_wait3A_476, %dma_wait3A_477] : memref<2x4x128xi32, #tpu.memory_space<vmem>> -> memref<1x4x128xi32, #tpu.memory_space<vmem>>
        %dma_wait3A_479 = tpu.memref_squeeze %dma_wait3A_478 : memref<1x4x128xi32, #tpu.memory_space<vmem>> -> memref<4x128xi32, #tpu.memory_space<vmem>>
        %dma_wait3A_480 = arith.constant 0 : i32
        %dma_wait3A_481 = tpu.memref_slice %arg2[%select_n3A_167, %dma_wait3A_480] : memref<25600x128xi32, #tpu.memory_space<hbm>> -> memref<4x128xi32, #tpu.memory_space<hbm>>
        %dma_wait3A_482 = arith.constant 0 : i32
        %dma_wait3A_483 = arith.constant 0 : i32
        %dma_wait3A_484 = tpu.memref_slice %arg5[%run_scoped3A_168, %dma_wait3A_482, %dma_wait3A_483] : memref<2x4x128xi32, #tpu.memory_space<vmem>> -> memref<1x4x128xi32, #tpu.memory_space<vmem>>
        %dma_wait3A_485 = tpu.memref_squeeze %dma_wait3A_484 : memref<1x4x128xi32, #tpu.memory_space<vmem>> -> memref<4x128xi32, #tpu.memory_space<vmem>>
        %dma_wait3A_486 = arith.constant 0 : i32
        %dma_wait3A_487 = tpu.memref_slice %arg2[%select_n3A_167, %dma_wait3A_486] : memref<25600x128xi32, #tpu.memory_space<hbm>> -> memref<4x128xi32, #tpu.memory_space<hbm>>
        tpu.wait_dma2 semaphore(%run_scoped3A_463 : memref<!tpu.dma_semaphore, #tpu.memory_space<semaphore_mem>>) src(%dma_wait3A_487 : memref<4x128xi32, #tpu.memory_space<hbm>>) dst(%dma_wait3A_485 : memref<4x128xi32, #tpu.memory_space<vmem>>)
        tpu.yield
      }) : () -> ()
      %dma_start3A_169 = arith.constant 1 : i32
      %dma_start3A_170 = arith.constant 0 : i32
      %dma_start3A_171 = arith.constant 1 : i32
      %dma_start3A_172 = arith.constant 0 : i32
      %dma_start3A_173 = arith.constant 0 : i32
      %dma_start3A_174 = tpu.memref_slice %arg6[%dma_start3A_171, %dma_start3A_172, %dma_start3A_173] : memref<2x512x64xf32, #tpu.memory_space<vmem>> -> memref<1x512x64xf32, #tpu.memory_space<vmem>>
      %dma_start3A_175 = tpu.memref_squeeze %dma_start3A_174 : memref<1x512x64xf32, #tpu.memory_space<vmem>> -> memref<512x64xf32, #tpu.memory_space<vmem>>
      %dma_start3A_176 = arith.constant 0 : i32
      %dma_start3A_177 = arith.constant 0 : i32
      %dma_start3A_178 = tpu.memref_slice %dma_start3A_175[%dma_start3A_176, %dma_start3A_177] : memref<512x64xf32, #tpu.memory_space<vmem>> -> memref<128x64xf32, #tpu.memory_space<vmem>>
      %dma_start3A_179 = arith.constant 0 : i32
      %dma_start3A_180 = arith.constant 0 : i32
      %dma_start3A_181 = tpu.memref_slice %arg5[%dma_start3A_169, %dma_start3A_179, %dma_start3A_180] : memref<2x4x128xi32, #tpu.memory_space<vmem>> -> memref<1x4x128xi32, #tpu.memory_space<vmem>>
      %dma_start3A_182 = tpu.memref_squeeze %dma_start3A_181 : memref<1x4x128xi32, #tpu.memory_space<vmem>> -> memref<4x128xi32, #tpu.memory_space<vmem>>
      %dma_start3A_183 = arith.constant 0 : i32
      %dma_start3A_184 = tpu.memref_slice %dma_start3A_182[%dma_start3A_170, %dma_start3A_183] : memref<4x128xi32, #tpu.memory_space<vmem>> -> memref<1x128xi32, #tpu.memory_space<vmem>>
      %dma_start3A_185 = tpu.memref_squeeze %dma_start3A_184 : memref<1x128xi32, #tpu.memory_space<vmem>> -> memref<128xi32, #tpu.memory_space<vmem>>
      %dma_start3A_186 = arith.constant 0 : i32
      %dma_start3A_187 = arith.constant 0 : i32
      %dma_start3A_188 = tpu.memref_slice %arg8[%dma_start3A_186, %dma_start3A_187] : memref<128x64xf32, #tpu.memory_space<vmem_shared>> -> memref<128x64xf32, #tpu.memory_space<vmem_shared>>
      tpu.enqueue_indirect_dma source(%dma_start3A_188 : memref<128x64xf32, #tpu.memory_space<vmem_shared>>) target(%dma_start3A_178 : memref<128x64xf32, #tpu.memory_space<vmem>>) offsets(%dma_start3A_185 : memref<128xi32, #tpu.memory_space<vmem>>) semaphore(%arg9 : memref<!tpu.dma_semaphore, #tpu.memory_space<semaphore_mem>>)
      %dma_start3A_189 = arith.constant 1 : i32
      %dma_start3A_190 = arith.constant 1 : i32
      %dma_start3A_191 = arith.constant 1 : i32
      %dma_start3A_192 = arith.constant 0 : i32
      %dma_start3A_193 = arith.constant 0 : i32
      %dma_start3A_194 = tpu.memref_slice %arg6[%dma_start3A_191, %dma_start3A_192, %dma_start3A_193] : memref<2x512x64xf32, #tpu.memory_space<vmem>> -> memref<1x512x64xf32, #tpu.memory_space<vmem>>
      %dma_start3A_195 = tpu.memref_squeeze %dma_start3A_194 : memref<1x512x64xf32, #tpu.memory_space<vmem>> -> memref<512x64xf32, #tpu.memory_space<vmem>>
      %dma_start3A_196 = arith.constant 128 : i32
      %dma_start3A_197 = arith.constant 0 : i32
      %dma_start3A_198 = tpu.memref_slice %dma_start3A_195[%dma_start3A_196, %dma_start3A_197] : memref<512x64xf32, #tpu.memory_space<vmem>> -> memref<128x64xf32, #tpu.memory_space<vmem>>
      %dma_start3A_199 = arith.constant 0 : i32
      %dma_start3A_200 = arith.constant 0 : i32
      %dma_start3A_201 = tpu.memref_slice %arg5[%dma_start3A_189, %dma_start3A_199, %dma_start3A_200] : memref<2x4x128xi32, #tpu.memory_space<vmem>> -> memref<1x4x128xi32, #tpu.memory_space<vmem>>
      %dma_start3A_202 = tpu.memref_squeeze %dma_start3A_201 : memref<1x4x128xi32, #tpu.memory_space<vmem>> -> memref<4x128xi32, #tpu.memory_space<vmem>>
      %dma_start3A_203 = arith.constant 0 : i32
      %dma_start3A_204 = tpu.memref_slice %dma_start3A_202[%dma_start3A_190, %dma_start3A_203] : memref<4x128xi32, #tpu.memory_space<vmem>> -> memref<1x128xi32, #tpu.memory_space<vmem>>
      %dma_start3A_205 = tpu.memref_squeeze %dma_start3A_204 : memref<1x128xi32, #tpu.memory_space<vmem>> -> memref<128xi32, #tpu.memory_space<vmem>>
      %dma_start3A_206 = arith.constant 0 : i32
      %dma_start3A_207 = arith.constant 0 : i32
      %dma_start3A_208 = tpu.memref_slice %arg8[%dma_start3A_206, %dma_start3A_207] : memref<128x64xf32, #tpu.memory_space<vmem_shared>> -> memref<128x64xf32, #tpu.memory_space<vmem_shared>>
      tpu.enqueue_indirect_dma source(%dma_start3A_208 : memref<128x64xf32, #tpu.memory_space<vmem_shared>>) target(%dma_start3A_198 : memref<128x64xf32, #tpu.memory_space<vmem>>) offsets(%dma_start3A_205 : memref<128xi32, #tpu.memory_space<vmem>>) semaphore(%arg9 : memref<!tpu.dma_semaphore, #tpu.memory_space<semaphore_mem>>)
      %dma_start3A_209 = arith.constant 1 : i32
      %dma_start3A_210 = arith.constant 2 : i32
      %dma_start3A_211 = arith.constant 1 : i32
      %dma_start3A_212 = arith.constant 0 : i32
      %dma_start3A_213 = arith.constant 0 : i32
      %dma_start3A_214 = tpu.memref_slice %arg6[%dma_start3A_211, %dma_start3A_212, %dma_start3A_213] : memref<2x512x64xf32, #tpu.memory_space<vmem>> -> memref<1x512x64xf32, #tpu.memory_space<vmem>>
      %dma_start3A_215 = tpu.memref_squeeze %dma_start3A_214 : memref<1x512x64xf32, #tpu.memory_space<vmem>> -> memref<512x64xf32, #tpu.memory_space<vmem>>
      %dma_start3A_216 = arith.constant 256 : i32
      %dma_start3A_217 = arith.constant 0 : i32
      %dma_start3A_218 = tpu.memref_slice %dma_start3A_215[%dma_start3A_216, %dma_start3A_217] : memref<512x64xf32, #tpu.memory_space<vmem>> -> memref<128x64xf32, #tpu.memory_space<vmem>>
      %dma_start3A_219 = arith.constant 0 : i32
      %dma_start3A_220 = arith.constant 0 : i32
      %dma_start3A_221 = tpu.memref_slice %arg5[%dma_start3A_209, %dma_start3A_219, %dma_start3A_220] : memref<2x4x128xi32, #tpu.memory_space<vmem>> -> memref<1x4x128xi32, #tpu.memory_space<vmem>>
      %dma_start3A_222 = tpu.memref_squeeze %dma_start3A_221 : memref<1x4x128xi32, #tpu.memory_space<vmem>> -> memref<4x128xi32, #tpu.memory_space<vmem>>
      %dma_start3A_223 = arith.constant 0 : i32
      %dma_start3A_224 = tpu.memref_slice %dma_start3A_222[%dma_start3A_210, %dma_start3A_223] : memref<4x128xi32, #tpu.memory_space<vmem>> -> memref<1x128xi32, #tpu.memory_space<vmem>>
      %dma_start3A_225 = tpu.memref_squeeze %dma_start3A_224 : memref<1x128xi32, #tpu.memory_space<vmem>> -> memref<128xi32, #tpu.memory_space<vmem>>
      %dma_start3A_226 = arith.constant 0 : i32
      %dma_start3A_227 = arith.constant 0 : i32
      %dma_start3A_228 = tpu.memref_slice %arg8[%dma_start3A_226, %dma_start3A_227] : memref<128x64xf32, #tpu.memory_space<vmem_shared>> -> memref<128x64xf32, #tpu.memory_space<vmem_shared>>
      tpu.enqueue_indirect_dma source(%dma_start3A_228 : memref<128x64xf32, #tpu.memory_space<vmem_shared>>) target(%dma_start3A_218 : memref<128x64xf32, #tpu.memory_space<vmem>>) offsets(%dma_start3A_225 : memref<128xi32, #tpu.memory_space<vmem>>) semaphore(%arg9 : memref<!tpu.dma_semaphore, #tpu.memory_space<semaphore_mem>>)
      %dma_start3A_229 = arith.constant 1 : i32
      %dma_start3A_230 = arith.constant 3 : i32
      %dma_start3A_231 = arith.constant 1 : i32
      %dma_start3A_232 = arith.constant 0 : i32
      %dma_start3A_233 = arith.constant 0 : i32
      %dma_start3A_234 = tpu.memref_slice %arg6[%dma_start3A_231, %dma_start3A_232, %dma_start3A_233] : memref<2x512x64xf32, #tpu.memory_space<vmem>> -> memref<1x512x64xf32, #tpu.memory_space<vmem>>
      %dma_start3A_235 = tpu.memref_squeeze %dma_start3A_234 : memref<1x512x64xf32, #tpu.memory_space<vmem>> -> memref<512x64xf32, #tpu.memory_space<vmem>>
      %dma_start3A_236 = arith.constant 384 : i32
      %dma_start3A_237 = arith.constant 0 : i32
      %dma_start3A_238 = tpu.memref_slice %dma_start3A_235[%dma_start3A_236, %dma_start3A_237] : memref<512x64xf32, #tpu.memory_space<vmem>> -> memref<128x64xf32, #tpu.memory_space<vmem>>
      %dma_start3A_239 = arith.constant 0 : i32
      %dma_start3A_240 = arith.constant 0 : i32
      %dma_start3A_241 = tpu.memref_slice %arg5[%dma_start3A_229, %dma_start3A_239, %dma_start3A_240] : memref<2x4x128xi32, #tpu.memory_space<vmem>> -> memref<1x4x128xi32, #tpu.memory_space<vmem>>
      %dma_start3A_242 = tpu.memref_squeeze %dma_start3A_241 : memref<1x4x128xi32, #tpu.memory_space<vmem>> -> memref<4x128xi32, #tpu.memory_space<vmem>>
      %dma_start3A_243 = arith.constant 0 : i32
      %dma_start3A_244 = tpu.memref_slice %dma_start3A_242[%dma_start3A_230, %dma_start3A_243] : memref<4x128xi32, #tpu.memory_space<vmem>> -> memref<1x128xi32, #tpu.memory_space<vmem>>
      %dma_start3A_245 = tpu.memref_squeeze %dma_start3A_244 : memref<1x128xi32, #tpu.memory_space<vmem>> -> memref<128xi32, #tpu.memory_space<vmem>>
      %dma_start3A_246 = arith.constant 0 : i32
      %dma_start3A_247 = arith.constant 0 : i32
      %dma_start3A_248 = tpu.memref_slice %arg8[%dma_start3A_246, %dma_start3A_247] : memref<128x64xf32, #tpu.memory_space<vmem_shared>> -> memref<128x64xf32, #tpu.memory_space<vmem_shared>>
      tpu.enqueue_indirect_dma source(%dma_start3A_248 : memref<128x64xf32, #tpu.memory_space<vmem_shared>>) target(%dma_start3A_238 : memref<128x64xf32, #tpu.memory_space<vmem>>) offsets(%dma_start3A_245 : memref<128xi32, #tpu.memory_space<vmem>>) semaphore(%arg9 : memref<!tpu.dma_semaphore, #tpu.memory_space<semaphore_mem>>)
      %gt3A = arith.constant 0 : i32
      %gt3A_249 = arith.cmpi sgt, %scan3A_136, %gt3A : i32
      %convert_element_type3A_250 = arith.extui %gt3A_249 : i1 to i32
      %cond3A_251 = arith.constant 0 : i32
      %cond3A_252 = arith.cmpi ne, %convert_element_type3A_250, %cond3A_251 : i32
      scf.if %cond3A_252 {
        %sub3A_463 = arith.constant 2 : i32
        %sub3A_464 = arith.subi %mul3A_138, %sub3A_463 : i32
        %mul3A_465 = arith.constant 512 : i32
        %mul3A_466 = arith.muli %sub3A_464, %mul3A_465 : i32
        %add3A_467 = arith.addi %mul3A_2, %mul3A_466 : i32
        %dma_wait3A_468 = arith.constant 0 : i32
        %dma_wait3A_469 = arith.constant 0 : i32
        %dma_wait3A_470 = arith.constant 0 : i32
        %dma_wait3A_471 = tpu.memref_slice %arg7[%dma_wait3A_468, %dma_wait3A_469, %dma_wait3A_470] : memref<2x512x50xf32, #tpu.memory_space<vmem>> -> memref<1x512x50xf32, #tpu.memory_space<vmem>>
        %dma_wait3A_472 = tpu.memref_squeeze %dma_wait3A_471 : memref<1x512x50xf32, #tpu.memory_space<vmem>> -> memref<512x50xf32, #tpu.memory_space<vmem>>
        %dma_wait3A_473 = arith.constant 0 : i32
        %dma_wait3A_474 = tpu.memref_slice %arg4[%add3A_467, %dma_wait3A_473] : memref<3276800x50xf32, #tpu.memory_space<hbm>> -> memref<512x50xf32, #tpu.memory_space<hbm>>
        %dma_wait3A_475 = arith.constant 0 : i32
        %dma_wait3A_476 = tpu.memref_slice %arg4[%add3A_467, %dma_wait3A_475] : memref<3276800x50xf32, #tpu.memory_space<hbm>> -> memref<512x50xf32, #tpu.memory_space<hbm>>
        %dma_wait3A_477 = arith.constant 0 : i32
        %dma_wait3A_478 = arith.constant 0 : i32
        %dma_wait3A_479 = tpu.memref_slice %arg7[%dma_wait3A_468, %dma_wait3A_477, %dma_wait3A_478] : memref<2x512x50xf32, #tpu.memory_space<vmem>> -> memref<1x512x50xf32, #tpu.memory_space<vmem>>
        %dma_wait3A_480 = tpu.memref_squeeze %dma_wait3A_479 : memref<1x512x50xf32, #tpu.memory_space<vmem>> -> memref<512x50xf32, #tpu.memory_space<vmem>>
        tpu.wait_dma2 semaphore(%arg10 : memref<!tpu.dma_semaphore, #tpu.memory_space<semaphore_mem>>) src(%dma_wait3A_480 : memref<512x50xf32, #tpu.memory_space<vmem>>) dst(%dma_wait3A_476 : memref<512x50xf32, #tpu.memory_space<hbm>>)
      } else {
      }
      %dma_wait3A_253 = arith.constant 0 : i32
      %dma_wait3A_254 = arith.constant 0 : i32
      %dma_wait3A_255 = arith.constant 0 : i32
      %dma_wait3A_256 = arith.constant 0 : i32
      %dma_wait3A_257 = arith.constant 0 : i32
      %dma_wait3A_258 = tpu.memref_slice %arg6[%dma_wait3A_255, %dma_wait3A_256, %dma_wait3A_257] : memref<2x512x64xf32, #tpu.memory_space<vmem>> -> memref<1x512x64xf32, #tpu.memory_space<vmem>>
      %dma_wait3A_259 = tpu.memref_squeeze %dma_wait3A_258 : memref<1x512x64xf32, #tpu.memory_space<vmem>> -> memref<512x64xf32, #tpu.memory_space<vmem>>
      %dma_wait3A_260 = arith.constant 0 : i32
      %dma_wait3A_261 = arith.constant 0 : i32
      %dma_wait3A_262 = tpu.memref_slice %dma_wait3A_259[%dma_wait3A_260, %dma_wait3A_261] : memref<512x64xf32, #tpu.memory_space<vmem>> -> memref<128x64xf32, #tpu.memory_space<vmem>>
      %dma_wait3A_263 = arith.constant 0 : i32
      %dma_wait3A_264 = arith.constant 0 : i32
      %dma_wait3A_265 = tpu.memref_slice %arg5[%dma_wait3A_253, %dma_wait3A_263, %dma_wait3A_264] : memref<2x4x128xi32, #tpu.memory_space<vmem>> -> memref<1x4x128xi32, #tpu.memory_space<vmem>>
      %dma_wait3A_266 = tpu.memref_squeeze %dma_wait3A_265 : memref<1x4x128xi32, #tpu.memory_space<vmem>> -> memref<4x128xi32, #tpu.memory_space<vmem>>
      %dma_wait3A_267 = arith.constant 0 : i32
      %dma_wait3A_268 = tpu.memref_slice %dma_wait3A_266[%dma_wait3A_254, %dma_wait3A_267] : memref<4x128xi32, #tpu.memory_space<vmem>> -> memref<1x128xi32, #tpu.memory_space<vmem>>
      %dma_wait3A_269 = tpu.memref_squeeze %dma_wait3A_268 : memref<1x128xi32, #tpu.memory_space<vmem>> -> memref<128xi32, #tpu.memory_space<vmem>>
      %dma_wait3A_270 = arith.constant 0 : i32
      %dma_wait3A_271 = arith.constant 0 : i32
      %dma_wait3A_272 = tpu.memref_slice %arg8[%dma_wait3A_270, %dma_wait3A_271] : memref<128x64xf32, #tpu.memory_space<vmem_shared>> -> memref<128x64xf32, #tpu.memory_space<vmem_shared>>
      tpu.wait_indirect_dma semaphore(%arg9 : memref<!tpu.dma_semaphore, #tpu.memory_space<semaphore_mem>>) src(%dma_wait3A_272 : memref<128x64xf32, #tpu.memory_space<vmem_shared>>) dst(%dma_wait3A_262 : memref<128x64xf32, #tpu.memory_space<vmem>>)
      %dma_wait3A_273 = arith.constant 0 : i32
      %dma_wait3A_274 = arith.constant 1 : i32
      %dma_wait3A_275 = arith.constant 0 : i32
      %dma_wait3A_276 = arith.constant 0 : i32
      %dma_wait3A_277 = arith.constant 0 : i32
      %dma_wait3A_278 = tpu.memref_slice %arg6[%dma_wait3A_275, %dma_wait3A_276, %dma_wait3A_277] : memref<2x512x64xf32, #tpu.memory_space<vmem>> -> memref<1x512x64xf32, #tpu.memory_space<vmem>>
      %dma_wait3A_279 = tpu.memref_squeeze %dma_wait3A_278 : memref<1x512x64xf32, #tpu.memory_space<vmem>> -> memref<512x64xf32, #tpu.memory_space<vmem>>
      %dma_wait3A_280 = arith.constant 128 : i32
      %dma_wait3A_281 = arith.constant 0 : i32
      %dma_wait3A_282 = tpu.memref_slice %dma_wait3A_279[%dma_wait3A_280, %dma_wait3A_281] : memref<512x64xf32, #tpu.memory_space<vmem>> -> memref<128x64xf32, #tpu.memory_space<vmem>>
      %dma_wait3A_283 = arith.constant 0 : i32
      %dma_wait3A_284 = arith.constant 0 : i32
      %dma_wait3A_285 = tpu.memref_slice %arg5[%dma_wait3A_273, %dma_wait3A_283, %dma_wait3A_284] : memref<2x4x128xi32, #tpu.memory_space<vmem>> -> memref<1x4x128xi32, #tpu.memory_space<vmem>>
      %dma_wait3A_286 = tpu.memref_squeeze %dma_wait3A_285 : memref<1x4x128xi32, #tpu.memory_space<vmem>> -> memref<4x128xi32, #tpu.memory_space<vmem>>
      %dma_wait3A_287 = arith.constant 0 : i32
      %dma_wait3A_288 = tpu.memref_slice %dma_wait3A_286[%dma_wait3A_274, %dma_wait3A_287] : memref<4x128xi32, #tpu.memory_space<vmem>> -> memref<1x128xi32, #tpu.memory_space<vmem>>
      %dma_wait3A_289 = tpu.memref_squeeze %dma_wait3A_288 : memref<1x128xi32, #tpu.memory_space<vmem>> -> memref<128xi32, #tpu.memory_space<vmem>>
      %dma_wait3A_290 = arith.constant 0 : i32
      %dma_wait3A_291 = arith.constant 0 : i32
      %dma_wait3A_292 = tpu.memref_slice %arg8[%dma_wait3A_290, %dma_wait3A_291] : memref<128x64xf32, #tpu.memory_space<vmem_shared>> -> memref<128x64xf32, #tpu.memory_space<vmem_shared>>
      tpu.wait_indirect_dma semaphore(%arg9 : memref<!tpu.dma_semaphore, #tpu.memory_space<semaphore_mem>>) src(%dma_wait3A_292 : memref<128x64xf32, #tpu.memory_space<vmem_shared>>) dst(%dma_wait3A_282 : memref<128x64xf32, #tpu.memory_space<vmem>>)
      %dma_wait3A_293 = arith.constant 0 : i32
      %dma_wait3A_294 = arith.constant 2 : i32
      %dma_wait3A_295 = arith.constant 0 : i32
      %dma_wait3A_296 = arith.constant 0 : i32
      %dma_wait3A_297 = arith.constant 0 : i32
      %dma_wait3A_298 = tpu.memref_slice %arg6[%dma_wait3A_295, %dma_wait3A_296, %dma_wait3A_297] : memref<2x512x64xf32, #tpu.memory_space<vmem>> -> memref<1x512x64xf32, #tpu.memory_space<vmem>>
      %dma_wait3A_299 = tpu.memref_squeeze %dma_wait3A_298 : memref<1x512x64xf32, #tpu.memory_space<vmem>> -> memref<512x64xf32, #tpu.memory_space<vmem>>
      %dma_wait3A_300 = arith.constant 256 : i32
      %dma_wait3A_301 = arith.constant 0 : i32
      %dma_wait3A_302 = tpu.memref_slice %dma_wait3A_299[%dma_wait3A_300, %dma_wait3A_301] : memref<512x64xf32, #tpu.memory_space<vmem>> -> memref<128x64xf32, #tpu.memory_space<vmem>>
      %dma_wait3A_303 = arith.constant 0 : i32
      %dma_wait3A_304 = arith.constant 0 : i32
      %dma_wait3A_305 = tpu.memref_slice %arg5[%dma_wait3A_293, %dma_wait3A_303, %dma_wait3A_304] : memref<2x4x128xi32, #tpu.memory_space<vmem>> -> memref<1x4x128xi32, #tpu.memory_space<vmem>>
      %dma_wait3A_306 = tpu.memref_squeeze %dma_wait3A_305 : memref<1x4x128xi32, #tpu.memory_space<vmem>> -> memref<4x128xi32, #tpu.memory_space<vmem>>
      %dma_wait3A_307 = arith.constant 0 : i32
      %dma_wait3A_308 = tpu.memref_slice %dma_wait3A_306[%dma_wait3A_294, %dma_wait3A_307] : memref<4x128xi32, #tpu.memory_space<vmem>> -> memref<1x128xi32, #tpu.memory_space<vmem>>
      %dma_wait3A_309 = tpu.memref_squeeze %dma_wait3A_308 : memref<1x128xi32, #tpu.memory_space<vmem>> -> memref<128xi32, #tpu.memory_space<vmem>>
      %dma_wait3A_310 = arith.constant 0 : i32
      %dma_wait3A_311 = arith.constant 0 : i32
      %dma_wait3A_312 = tpu.memref_slice %arg8[%dma_wait3A_310, %dma_wait3A_311] : memref<128x64xf32, #tpu.memory_space<vmem_shared>> -> memref<128x64xf32, #tpu.memory_space<vmem_shared>>
      tpu.wait_indirect_dma semaphore(%arg9 : memref<!tpu.dma_semaphore, #tpu.memory_space<semaphore_mem>>) src(%dma_wait3A_312 : memref<128x64xf32, #tpu.memory_space<vmem_shared>>) dst(%dma_wait3A_302 : memref<128x64xf32, #tpu.memory_space<vmem>>)
      %dma_wait3A_313 = arith.constant 0 : i32
      %dma_wait3A_314 = arith.constant 3 : i32
      %dma_wait3A_315 = arith.constant 0 : i32
      %dma_wait3A_316 = arith.constant 0 : i32
      %dma_wait3A_317 = arith.constant 0 : i32
      %dma_wait3A_318 = tpu.memref_slice %arg6[%dma_wait3A_315, %dma_wait3A_316, %dma_wait3A_317] : memref<2x512x64xf32, #tpu.memory_space<vmem>> -> memref<1x512x64xf32, #tpu.memory_space<vmem>>
      %dma_wait3A_319 = tpu.memref_squeeze %dma_wait3A_318 : memref<1x512x64xf32, #tpu.memory_space<vmem>> -> memref<512x64xf32, #tpu.memory_space<vmem>>
      %dma_wait3A_320 = arith.constant 384 : i32
      %dma_wait3A_321 = arith.constant 0 : i32
      %dma_wait3A_322 = tpu.memref_slice %dma_wait3A_319[%dma_wait3A_320, %dma_wait3A_321] : memref<512x64xf32, #tpu.memory_space<vmem>> -> memref<128x64xf32, #tpu.memory_space<vmem>>
      %dma_wait3A_323 = arith.constant 0 : i32
      %dma_wait3A_324 = arith.constant 0 : i32
      %dma_wait3A_325 = tpu.memref_slice %arg5[%dma_wait3A_313, %dma_wait3A_323, %dma_wait3A_324] : memref<2x4x128xi32, #tpu.memory_space<vmem>> -> memref<1x4x128xi32, #tpu.memory_space<vmem>>
      %dma_wait3A_326 = tpu.memref_squeeze %dma_wait3A_325 : memref<1x4x128xi32, #tpu.memory_space<vmem>> -> memref<4x128xi32, #tpu.memory_space<vmem>>
      %dma_wait3A_327 = arith.constant 0 : i32
      %dma_wait3A_328 = tpu.memref_slice %dma_wait3A_326[%dma_wait3A_314, %dma_wait3A_327] : memref<4x128xi32, #tpu.memory_space<vmem>> -> memref<1x128xi32, #tpu.memory_space<vmem>>
      %dma_wait3A_329 = tpu.memref_squeeze %dma_wait3A_328 : memref<1x128xi32, #tpu.memory_space<vmem>> -> memref<128xi32, #tpu.memory_space<vmem>>
      %dma_wait3A_330 = arith.constant 0 : i32
      %dma_wait3A_331 = arith.constant 0 : i32
      %dma_wait3A_332 = tpu.memref_slice %arg8[%dma_wait3A_330, %dma_wait3A_331] : memref<128x64xf32, #tpu.memory_space<vmem_shared>> -> memref<128x64xf32, #tpu.memory_space<vmem_shared>>
      tpu.wait_indirect_dma semaphore(%arg9 : memref<!tpu.dma_semaphore, #tpu.memory_space<semaphore_mem>>) src(%dma_wait3A_332 : memref<128x64xf32, #tpu.memory_space<vmem_shared>>) dst(%dma_wait3A_322 : memref<128x64xf32, #tpu.memory_space<vmem>>)
      %parallel_loop3A = arith.constant 0 : i32
      %parallel_loop3A_333 = arith.constant 512 : i32
      %parallel_loop3A_334 = arith.constant 1 : i32
      scf.for %parallel_loop3A_463 = %parallel_loop3A to %parallel_loop3A_333 step %parallel_loop3A_334  : i32 {
        %parallel_loop3A_464 = arith.constant 0 : i32
        %parallel_loop3A_465 = arith.index_cast %parallel_loop3A_464 : i32 to index
        %parallel_loop3A_466 = arith.index_cast %parallel_loop3A_463 : i32 to index
        %parallel_loop3A_467 = arith.constant 0 : index
        %parallel_loop3A_468 = tpu.vector_load %arg6[%parallel_loop3A_465, %parallel_loop3A_466, %parallel_loop3A_467] {strides = array<i32>} : memref<2x512x64xf32, #tpu.memory_space<vmem>>, vector<1x1x16xf32>,
        %parallel_loop3A_469 = vector.shape_cast %parallel_loop3A_468 : vector<1x1x16xf32> to vector<16xf32>
        %parallel_loop3A_470 = arith.constant 0 : i32
        %parallel_loop3A_471 = arith.index_cast %parallel_loop3A_470 : i32 to index
        %parallel_loop3A_472 = arith.index_cast %parallel_loop3A_463 : i32 to index
        %parallel_loop3A_473 = arith.constant 0 : index
        %parallel_loop3A_474 = tpu.vector_load %arg7[%parallel_loop3A_471, %parallel_loop3A_472, %parallel_loop3A_473] {strides = array<i32>} : memref<2x512x50xf32, #tpu.memory_space<vmem>>, vector<1x1x16xf32>,
        %parallel_loop3A_475 = vector.shape_cast %parallel_loop3A_474 : vector<1x1x16xf32> to vector<16xf32>
        %parallel_loop3A_476 = vector.shape_cast %parallel_loop3A_469 : vector<16xf32> to vector<1x1x16xf32>
        tpu.vector_store %arg7[%parallel_loop3A_471, %parallel_loop3A_472, %parallel_loop3A_473], %parallel_loop3A_476 {strides = array<i32>} : memref<2x512x50xf32, #tpu.memory_space<vmem>>, vector<1x1x16xf32>,
        %parallel_loop3A_477 = arith.constant 0 : i32
        %parallel_loop3A_478 = arith.index_cast %parallel_loop3A_477 : i32 to index
        %parallel_loop3A_479 = arith.index_cast %parallel_loop3A_463 : i32 to index
        %parallel_loop3A_480 = arith.constant 16 : index
        %parallel_loop3A_481 = tpu.vector_load %arg6[%parallel_loop3A_478, %parallel_loop3A_479, %parallel_loop3A_480] {strides = array<i32>} : memref<2x512x64xf32, #tpu.memory_space<vmem>>, vector<1x1x16xf32>,
        %parallel_loop3A_482 = vector.shape_cast %parallel_loop3A_481 : vector<1x1x16xf32> to vector<16xf32>
        %parallel_loop3A_483 = arith.constant 0 : i32
        %parallel_loop3A_484 = arith.index_cast %parallel_loop3A_483 : i32 to index
        %parallel_loop3A_485 = arith.index_cast %parallel_loop3A_463 : i32 to index
        %parallel_loop3A_486 = arith.constant 16 : index
        %parallel_loop3A_487 = tpu.vector_load %arg7[%parallel_loop3A_484, %parallel_loop3A_485, %parallel_loop3A_486] {strides = array<i32>} : memref<2x512x50xf32, #tpu.memory_space<vmem>>, vector<1x1x16xf32>,
        %parallel_loop3A_488 = vector.shape_cast %parallel_loop3A_487 : vector<1x1x16xf32> to vector<16xf32>
        %parallel_loop3A_489 = vector.shape_cast %parallel_loop3A_482 : vector<16xf32> to vector<1x1x16xf32>
        tpu.vector_store %arg7[%parallel_loop3A_484, %parallel_loop3A_485, %parallel_loop3A_486], %parallel_loop3A_489 {strides = array<i32>} : memref<2x512x50xf32, #tpu.memory_space<vmem>>, vector<1x1x16xf32>,
        %parallel_loop3A_490 = arith.constant 0 : i32
        %parallel_loop3A_491 = arith.index_cast %parallel_loop3A_490 : i32 to index
        %parallel_loop3A_492 = arith.index_cast %parallel_loop3A_463 : i32 to index
        %parallel_loop3A_493 = arith.constant 32 : index
        %parallel_loop3A_494 = tpu.vector_load %arg6[%parallel_loop3A_491, %parallel_loop3A_492, %parallel_loop3A_493] {strides = array<i32>} : memref<2x512x64xf32, #tpu.memory_space<vmem>>, vector<1x1x16xf32>,
        %parallel_loop3A_495 = vector.shape_cast %parallel_loop3A_494 : vector<1x1x16xf32> to vector<16xf32>
        %parallel_loop3A_496 = arith.constant 0 : i32
        %parallel_loop3A_497 = arith.index_cast %parallel_loop3A_496 : i32 to index
        %parallel_loop3A_498 = arith.index_cast %parallel_loop3A_463 : i32 to index
        %parallel_loop3A_499 = arith.constant 32 : index
        %parallel_loop3A_500 = tpu.vector_load %arg7[%parallel_loop3A_497, %parallel_loop3A_498, %parallel_loop3A_499] {strides = array<i32>} : memref<2x512x50xf32, #tpu.memory_space<vmem>>, vector<1x1x16xf32>,
        %parallel_loop3A_501 = vector.shape_cast %parallel_loop3A_500 : vector<1x1x16xf32> to vector<16xf32>
        %parallel_loop3A_502 = vector.shape_cast %parallel_loop3A_495 : vector<16xf32> to vector<1x1x16xf32>
        tpu.vector_store %arg7[%parallel_loop3A_497, %parallel_loop3A_498, %parallel_loop3A_499], %parallel_loop3A_502 {strides = array<i32>} : memref<2x512x50xf32, #tpu.memory_space<vmem>>, vector<1x1x16xf32>,
        %parallel_loop3A_503 = arith.constant 0 : i32
        %parallel_loop3A_504 = arith.index_cast %parallel_loop3A_503 : i32 to index
        %parallel_loop3A_505 = arith.index_cast %parallel_loop3A_463 : i32 to index
        %parallel_loop3A_506 = arith.constant 34 : index
        %parallel_loop3A_507 = tpu.vector_load %arg6[%parallel_loop3A_504, %parallel_loop3A_505, %parallel_loop3A_506] {strides = array<i32>} : memref<2x512x64xf32, #tpu.memory_space<vmem>>, vector<1x1x16xf32>,
        %parallel_loop3A_508 = vector.shape_cast %parallel_loop3A_507 : vector<1x1x16xf32> to vector<16xf32>
        %parallel_loop3A_509 = arith.constant 0 : i32
        %parallel_loop3A_510 = arith.index_cast %parallel_loop3A_509 : i32 to index
        %parallel_loop3A_511 = arith.index_cast %parallel_loop3A_463 : i32 to index
        %parallel_loop3A_512 = arith.constant 34 : index
        %parallel_loop3A_513 = tpu.vector_load %arg7[%parallel_loop3A_510, %parallel_loop3A_511, %parallel_loop3A_512] {strides = array<i32>} : memref<2x512x50xf32, #tpu.memory_space<vmem>>, vector<1x1x16xf32>,
        %parallel_loop3A_514 = vector.shape_cast %parallel_loop3A_513 : vector<1x1x16xf32> to vector<16xf32>
        %parallel_loop3A_515 = vector.shape_cast %parallel_loop3A_508 : vector<16xf32> to vector<1x1x16xf32>
        tpu.vector_store %arg7[%parallel_loop3A_510, %parallel_loop3A_511, %parallel_loop3A_512], %parallel_loop3A_515 {strides = array<i32>} : memref<2x512x50xf32, #tpu.memory_space<vmem>>, vector<1x1x16xf32>,
      } {sc.loop_unroll_factor = 4 : i64, sc.parallel_access}
      %mul3A_335 = arith.constant 512 : i32
      %mul3A_336 = arith.muli %mul3A_138, %mul3A_335 : i32
      %add3A_337 = arith.addi %mul3A_2, %mul3A_336 : i32
      %dma_start3A_338 = arith.constant 0 : i32
      %dma_start3A_339 = arith.constant 0 : i32
      %dma_start3A_340 = arith.constant 0 : i32
      %dma_start3A_341 = tpu.memref_slice %arg7[%dma_start3A_338, %dma_start3A_339, %dma_start3A_340] : memref<2x512x50xf32, #tpu.memory_space<vmem>> -> memref<1x512x50xf32, #tpu.memory_space<vmem>>
      %dma_start3A_342 = tpu.memref_squeeze %dma_start3A_341 : memref<1x512x50xf32, #tpu.memory_space<vmem>> -> memref<512x50xf32, #tpu.memory_space<vmem>>
      %dma_start3A_343 = arith.constant 0 : i32
      %dma_start3A_344 = tpu.memref_slice %arg4[%add3A_337, %dma_start3A_343] : memref<3276800x50xf32, #tpu.memory_space<hbm>> -> memref<512x50xf32, #tpu.memory_space<hbm>>
      %dma_start3A_345 = arith.constant 0 : i32
      %dma_start3A_346 = tpu.memref_slice %arg4[%add3A_337, %dma_start3A_345] : memref<3276800x50xf32, #tpu.memory_space<hbm>> -> memref<512x50xf32, #tpu.memory_space<hbm>>
      %dma_start3A_347 = arith.constant 0 : i32
      %dma_start3A_348 = arith.constant 0 : i32
      %dma_start3A_349 = tpu.memref_slice %arg7[%dma_start3A_338, %dma_start3A_347, %dma_start3A_348] : memref<2x512x50xf32, #tpu.memory_space<vmem>> -> memref<1x512x50xf32, #tpu.memory_space<vmem>>
      %dma_start3A_350 = tpu.memref_squeeze %dma_start3A_349 : memref<1x512x50xf32, #tpu.memory_space<vmem>> -> memref<512x50xf32, #tpu.memory_space<vmem>>
      tpu.enqueue_dma source(%dma_start3A_350 : memref<512x50xf32, #tpu.memory_space<vmem>>) target(%dma_start3A_346 : memref<512x50xf32, #tpu.memory_space<hbm>>) target_semaphore(%arg10 : memref<!tpu.dma_semaphore, #tpu.memory_space<semaphore_mem>>)
      %add3A_351 = arith.constant 2 : i32
      %add3A_352 = arith.addi %mul3A_138, %add3A_351 : i32
      %lt3A = arith.constant 200 : i32
      %lt3A_353 = arith.cmpi slt, %add3A_352, %lt3A : i32
      %convert_element_type3A_354 = arith.extui %lt3A_353 : i1 to i32
      %cond3A_355 = arith.constant 0 : i32
      %cond3A_356 = arith.cmpi ne, %convert_element_type3A_354, %cond3A_355 : i32
      scf.if %cond3A_356 {
        %add3A_463 = arith.constant 2 : i32
        %add3A_464 = arith.addi %mul3A_138, %add3A_463 : i32
        %mul3A_465 = arith.constant 512 : i32
        %mul3A_466 = arith.muli %add3A_464, %mul3A_465 : i32
        %add3A_467 = arith.addi %mul3A_2, %mul3A_466 : i32
        %jit3A_468 = arith.constant 128 : i32
        %div3A_469 = arith.divsi %add3A_467, %jit3A_468 : i32
        %sign3A_470 = arith.constant 0 : i32
        %sign3A_471 = arith.cmpi sgt, %add3A_467, %sign3A_470 : i32
        %sign3A_472 = arith.extui %sign3A_471 : i1 to i32
        %sign3A_473 = arith.constant 0 : i32
        %sign3A_474 = arith.cmpi slt, %add3A_467, %sign3A_473 : i32
        %sign3A_475 = arith.extui %sign3A_474 : i1 to i32
        %sign3A_476 = arith.subi %sign3A_472, %sign3A_475 : i32
        %sign3A_477 = arith.constant 0 : i32
        %sign3A_478 = arith.cmpi sgt, %jit3A_468, %sign3A_477 : i32
        %sign3A_479 = arith.extui %sign3A_478 : i1 to i32
        %sign3A_480 = arith.constant 0 : i32
        %sign3A_481 = arith.cmpi slt, %jit3A_468, %sign3A_480 : i32
        %sign3A_482 = arith.extui %sign3A_481 : i1 to i32
        %sign3A_483 = arith.subi %sign3A_479, %sign3A_482 : i32
        %ne3A_484 = arith.cmpi ne, %sign3A_476, %sign3A_483 : i32
        %rem3A_485 = arith.remsi %add3A_467, %jit3A_468 : i32
        %ne3A_486 = arith.constant 0 : i32
        %ne3A_487 = arith.cmpi ne, %rem3A_485, %ne3A_486 : i32
        %and3A_488 = arith.andi %ne3A_484, %ne3A_487 : i1
        %sub3A_489 = arith.constant 1 : i32
        %sub3A_490 = arith.subi %div3A_469, %sub3A_489 : i32
        %select_n3A_491 = arith.select %and3A_488, %sub3A_490, %div3A_469 : i32
        %run_scoped3A_492 = arith.constant 0 : i32
        "tpu.region"() ({
          %run_scoped3A_573 = tpu.sem_alloc : memref<!tpu.dma_semaphore, #tpu.memory_space<semaphore_mem>>
          %dma_start3A_574 = arith.constant 0 : i32
          %dma_start3A_575 = arith.constant 0 : i32
          %dma_start3A_576 = tpu.memref_slice %arg5[%run_scoped3A_492, %dma_start3A_574, %dma_start3A_575] : memref<2x4x128xi32, #tpu.memory_space<vmem>> -> memref<1x4x128xi32, #tpu.memory_space<vmem>>
          %dma_start3A_577 = tpu.memref_squeeze %dma_start3A_576 : memref<1x4x128xi32, #tpu.memory_space<vmem>> -> memref<4x128xi32, #tpu.memory_space<vmem>>
          %dma_start3A_578 = arith.constant 0 : i32
          %dma_start3A_579 = tpu.memref_slice %arg2[%select_n3A_491, %dma_start3A_578] : memref<25600x128xi32, #tpu.memory_space<hbm>> -> memref<4x128xi32, #tpu.memory_space<hbm>>
          %dma_start3A_580 = arith.constant 0 : i32
          %dma_start3A_581 = arith.constant 0 : i32
          %dma_start3A_582 = tpu.memref_slice %arg5[%run_scoped3A_492, %dma_start3A_580, %dma_start3A_581] : memref<2x4x128xi32, #tpu.memory_space<vmem>> -> memref<1x4x128xi32, #tpu.memory_space<vmem>>
          %dma_start3A_583 = tpu.memref_squeeze %dma_start3A_582 : memref<1x4x128xi32, #tpu.memory_space<vmem>> -> memref<4x128xi32, #tpu.memory_space<vmem>>
          %dma_start3A_584 = arith.constant 0 : i32
          %dma_start3A_585 = tpu.memref_slice %arg2[%select_n3A_491, %dma_start3A_584] : memref<25600x128xi32, #tpu.memory_space<hbm>> -> memref<4x128xi32, #tpu.memory_space<hbm>>
          tpu.enqueue_dma source(%dma_start3A_585 : memref<4x128xi32, #tpu.memory_space<hbm>>) target(%dma_start3A_583 : memref<4x128xi32, #tpu.memory_space<vmem>>) target_semaphore(%run_scoped3A_573 : memref<!tpu.dma_semaphore, #tpu.memory_space<semaphore_mem>>)
          %dma_wait3A_586 = arith.constant 0 : i32
          %dma_wait3A_587 = arith.constant 0 : i32
          %dma_wait3A_588 = tpu.memref_slice %arg5[%run_scoped3A_492, %dma_wait3A_586, %dma_wait3A_587] : memref<2x4x128xi32, #tpu.memory_space<vmem>> -> memref<1x4x128xi32, #tpu.memory_space<vmem>>
          %dma_wait3A_589 = tpu.memref_squeeze %dma_wait3A_588 : memref<1x4x128xi32, #tpu.memory_space<vmem>> -> memref<4x128xi32, #tpu.memory_space<vmem>>
          %dma_wait3A_590 = arith.constant 0 : i32
          %dma_wait3A_591 = tpu.memref_slice %arg2[%select_n3A_491, %dma_wait3A_590] : memref<25600x128xi32, #tpu.memory_space<hbm>> -> memref<4x128xi32, #tpu.memory_space<hbm>>
          %dma_wait3A_592 = arith.constant 0 : i32
          %dma_wait3A_593 = arith.constant 0 : i32
          %dma_wait3A_594 = tpu.memref_slice %arg5[%run_scoped3A_492, %dma_wait3A_592, %dma_wait3A_593] : memref<2x4x128xi32, #tpu.memory_space<vmem>> -> memref<1x4x128xi32, #tpu.memory_space<vmem>>
          %dma_wait3A_595 = tpu.memref_squeeze %dma_wait3A_594 : memref<1x4x128xi32, #tpu.memory_space<vmem>> -> memref<4x128xi32, #tpu.memory_space<vmem>>
          %dma_wait3A_596 = arith.constant 0 : i32
          %dma_wait3A_597 = tpu.memref_slice %arg2[%select_n3A_491, %dma_wait3A_596] : memref<25600x128xi32, #tpu.memory_space<hbm>> -> memref<4x128xi32, #tpu.memory_space<hbm>>
          tpu.wait_dma2 semaphore(%run_scoped3A_573 : memref<!tpu.dma_semaphore, #tpu.memory_space<semaphore_mem>>) src(%dma_wait3A_597 : memref<4x128xi32, #tpu.memory_space<hbm>>) dst(%dma_wait3A_595 : memref<4x128xi32, #tpu.memory_space<vmem>>)
          tpu.yield
        }) : () -> ()
        %dma_start3A_493 = arith.constant 0 : i32
        %dma_start3A_494 = arith.constant 0 : i32
        %dma_start3A_495 = arith.constant 0 : i32
        %dma_start3A_496 = arith.constant 0 : i32
        %dma_start3A_497 = arith.constant 0 : i32
        %dma_start3A_498 = tpu.memref_slice %arg6[%dma_start3A_495, %dma_start3A_496, %dma_start3A_497] : memref<2x512x64xf32, #tpu.memory_space<vmem>> -> memref<1x512x64xf32, #tpu.memory_space<vmem>>
        %dma_start3A_499 = tpu.memref_squeeze %dma_start3A_498 : memref<1x512x64xf32, #tpu.memory_space<vmem>> -> memref<512x64xf32, #tpu.memory_space<vmem>>
        %dma_start3A_500 = arith.constant 0 : i32
        %dma_start3A_501 = arith.constant 0 : i32
        %dma_start3A_502 = tpu.memref_slice %dma_start3A_499[%dma_start3A_500, %dma_start3A_501] : memref<512x64xf32, #tpu.memory_space<vmem>> -> memref<128x64xf32, #tpu.memory_space<vmem>>
        %dma_start3A_503 = arith.constant 0 : i32
        %dma_start3A_504 = arith.constant 0 : i32
        %dma_start3A_505 = tpu.memref_slice %arg5[%dma_start3A_493, %dma_start3A_503, %dma_start3A_504] : memref<2x4x128xi32, #tpu.memory_space<vmem>> -> memref<1x4x128xi32, #tpu.memory_space<vmem>>
        %dma_start3A_506 = tpu.memref_squeeze %dma_start3A_505 : memref<1x4x128xi32, #tpu.memory_space<vmem>> -> memref<4x128xi32, #tpu.memory_space<vmem>>
        %dma_start3A_507 = arith.constant 0 : i32
        %dma_start3A_508 = tpu.memref_slice %dma_start3A_506[%dma_start3A_494, %dma_start3A_507] : memref<4x128xi32, #tpu.memory_space<vmem>> -> memref<1x128xi32, #tpu.memory_space<vmem>>
        %dma_start3A_509 = tpu.memref_squeeze %dma_start3A_508 : memref<1x128xi32, #tpu.memory_space<vmem>> -> memref<128xi32, #tpu.memory_space<vmem>>
        %dma_start3A_510 = arith.constant 0 : i32
        %dma_start3A_511 = arith.constant 0 : i32
        %dma_start3A_512 = tpu.memref_slice %arg8[%dma_start3A_510, %dma_start3A_511] : memref<128x64xf32, #tpu.memory_space<vmem_shared>> -> memref<128x64xf32, #tpu.memory_space<vmem_shared>>
        tpu.enqueue_indirect_dma source(%dma_start3A_512 : memref<128x64xf32, #tpu.memory_space<vmem_shared>>) target(%dma_start3A_502 : memref<128x64xf32, #tpu.memory_space<vmem>>) offsets(%dma_start3A_509 : memref<128xi32, #tpu.memory_space<vmem>>) semaphore(%arg9 : memref<!tpu.dma_semaphore, #tpu.memory_space<semaphore_mem>>)
        %dma_start3A_513 = arith.constant 0 : i32
        %dma_start3A_514 = arith.constant 1 : i32
        %dma_start3A_515 = arith.constant 0 : i32
        %dma_start3A_516 = arith.constant 0 : i32
        %dma_start3A_517 = arith.constant 0 : i32
        %dma_start3A_518 = tpu.memref_slice %arg6[%dma_start3A_515, %dma_start3A_516, %dma_start3A_517] : memref<2x512x64xf32, #tpu.memory_space<vmem>> -> memref<1x512x64xf32, #tpu.memory_space<vmem>>
        %dma_start3A_519 = tpu.memref_squeeze %dma_start3A_518 : memref<1x512x64xf32, #tpu.memory_space<vmem>> -> memref<512x64xf32, #tpu.memory_space<vmem>>
        %dma_start3A_520 = arith.constant 128 : i32
        %dma_start3A_521 = arith.constant 0 : i32
        %dma_start3A_522 = tpu.memref_slice %dma_start3A_519[%dma_start3A_520, %dma_start3A_521] : memref<512x64xf32, #tpu.memory_space<vmem>> -> memref<128x64xf32, #tpu.memory_space<vmem>>
        %dma_start3A_523 = arith.constant 0 : i32
        %dma_start3A_524 = arith.constant 0 : i32
        %dma_start3A_525 = tpu.memref_slice %arg5[%dma_start3A_513, %dma_start3A_523, %dma_start3A_524] : memref<2x4x128xi32, #tpu.memory_space<vmem>> -> memref<1x4x128xi32, #tpu.memory_space<vmem>>
        %dma_start3A_526 = tpu.memref_squeeze %dma_start3A_525 : memref<1x4x128xi32, #tpu.memory_space<vmem>> -> memref<4x128xi32, #tpu.memory_space<vmem>>
        %dma_start3A_527 = arith.constant 0 : i32
        %dma_start3A_528 = tpu.memref_slice %dma_start3A_526[%dma_start3A_514, %dma_start3A_527] : memref<4x128xi32, #tpu.memory_space<vmem>> -> memref<1x128xi32, #tpu.memory_space<vmem>>
        %dma_start3A_529 = tpu.memref_squeeze %dma_start3A_528 : memref<1x128xi32, #tpu.memory_space<vmem>> -> memref<128xi32, #tpu.memory_space<vmem>>
        %dma_start3A_530 = arith.constant 0 : i32
        %dma_start3A_531 = arith.constant 0 : i32
        %dma_start3A_532 = tpu.memref_slice %arg8[%dma_start3A_530, %dma_start3A_531] : memref<128x64xf32, #tpu.memory_space<vmem_shared>> -> memref<128x64xf32, #tpu.memory_space<vmem_shared>>
        tpu.enqueue_indirect_dma source(%dma_start3A_532 : memref<128x64xf32, #tpu.memory_space<vmem_shared>>) target(%dma_start3A_522 : memref<128x64xf32, #tpu.memory_space<vmem>>) offsets(%dma_start3A_529 : memref<128xi32, #tpu.memory_space<vmem>>) semaphore(%arg9 : memref<!tpu.dma_semaphore, #tpu.memory_space<semaphore_mem>>)
        %dma_start3A_533 = arith.constant 0 : i32
        %dma_start3A_534 = arith.constant 2 : i32
        %dma_start3A_535 = arith.constant 0 : i32
        %dma_start3A_536 = arith.constant 0 : i32
        %dma_start3A_537 = arith.constant 0 : i32
        %dma_start3A_538 = tpu.memref_slice %arg6[%dma_start3A_535, %dma_start3A_536, %dma_start3A_537] : memref<2x512x64xf32, #tpu.memory_space<vmem>> -> memref<1x512x64xf32, #tpu.memory_space<vmem>>
        %dma_start3A_539 = tpu.memref_squeeze %dma_start3A_538 : memref<1x512x64xf32, #tpu.memory_space<vmem>> -> memref<512x64xf32, #tpu.memory_space<vmem>>
        %dma_start3A_540 = arith.constant 256 : i32
        %dma_start3A_541 = arith.constant 0 : i32
        %dma_start3A_542 = tpu.memref_slice %dma_start3A_539[%dma_start3A_540, %dma_start3A_541] : memref<512x64xf32, #tpu.memory_space<vmem>> -> memref<128x64xf32, #tpu.memory_space<vmem>>
        %dma_start3A_543 = arith.constant 0 : i32
        %dma_start3A_544 = arith.constant 0 : i32
        %dma_start3A_545 = tpu.memref_slice %arg5[%dma_start3A_533, %dma_start3A_543, %dma_start3A_544] : memref<2x4x128xi32, #tpu.memory_space<vmem>> -> memref<1x4x128xi32, #tpu.memory_space<vmem>>
        %dma_start3A_546 = tpu.memref_squeeze %dma_start3A_545 : memref<1x4x128xi32, #tpu.memory_space<vmem>> -> memref<4x128xi32, #tpu.memory_space<vmem>>
        %dma_start3A_547 = arith.constant 0 : i32
        %dma_start3A_548 = tpu.memref_slice %dma_start3A_546[%dma_start3A_534, %dma_start3A_547] : memref<4x128xi32, #tpu.memory_space<vmem>> -> memref<1x128xi32, #tpu.memory_space<vmem>>
        %dma_start3A_549 = tpu.memref_squeeze %dma_start3A_548 : memref<1x128xi32, #tpu.memory_space<vmem>> -> memref<128xi32, #tpu.memory_space<vmem>>
        %dma_start3A_550 = arith.constant 0 : i32
        %dma_start3A_551 = arith.constant 0 : i32
        %dma_start3A_552 = tpu.memref_slice %arg8[%dma_start3A_550, %dma_start3A_551] : memref<128x64xf32, #tpu.memory_space<vmem_shared>> -> memref<128x64xf32, #tpu.memory_space<vmem_shared>>
        tpu.enqueue_indirect_dma source(%dma_start3A_552 : memref<128x64xf32, #tpu.memory_space<vmem_shared>>) target(%dma_start3A_542 : memref<128x64xf32, #tpu.memory_space<vmem>>) offsets(%dma_start3A_549 : memref<128xi32, #tpu.memory_space<vmem>>) semaphore(%arg9 : memref<!tpu.dma_semaphore, #tpu.memory_space<semaphore_mem>>)
        %dma_start3A_553 = arith.constant 0 : i32
        %dma_start3A_554 = arith.constant 3 : i32
        %dma_start3A_555 = arith.constant 0 : i32
        %dma_start3A_556 = arith.constant 0 : i32
        %dma_start3A_557 = arith.constant 0 : i32
        %dma_start3A_558 = tpu.memref_slice %arg6[%dma_start3A_555, %dma_start3A_556, %dma_start3A_557] : memref<2x512x64xf32, #tpu.memory_space<vmem>> -> memref<1x512x64xf32, #tpu.memory_space<vmem>>
        %dma_start3A_559 = tpu.memref_squeeze %dma_start3A_558 : memref<1x512x64xf32, #tpu.memory_space<vmem>> -> memref<512x64xf32, #tpu.memory_space<vmem>>
        %dma_start3A_560 = arith.constant 384 : i32
        %dma_start3A_561 = arith.constant 0 : i32
        %dma_start3A_562 = tpu.memref_slice %dma_start3A_559[%dma_start3A_560, %dma_start3A_561] : memref<512x64xf32, #tpu.memory_space<vmem>> -> memref<128x64xf32, #tpu.memory_space<vmem>>
        %dma_start3A_563 = arith.constant 0 : i32
        %dma_start3A_564 = arith.constant 0 : i32
        %dma_start3A_565 = tpu.memref_slice %arg5[%dma_start3A_553, %dma_start3A_563, %dma_start3A_564] : memref<2x4x128xi32, #tpu.memory_space<vmem>> -> memref<1x4x128xi32, #tpu.memory_space<vmem>>
        %dma_start3A_566 = tpu.memref_squeeze %dma_start3A_565 : memref<1x4x128xi32, #tpu.memory_space<vmem>> -> memref<4x128xi32, #tpu.memory_space<vmem>>
        %dma_start3A_567 = arith.constant 0 : i32
        %dma_start3A_568 = tpu.memref_slice %dma_start3A_566[%dma_start3A_554, %dma_start3A_567] : memref<4x128xi32, #tpu.memory_space<vmem>> -> memref<1x128xi32, #tpu.memory_space<vmem>>
        %dma_start3A_569 = tpu.memref_squeeze %dma_start3A_568 : memref<1x128xi32, #tpu.memory_space<vmem>> -> memref<128xi32, #tpu.memory_space<vmem>>
        %dma_start3A_570 = arith.constant 0 : i32
        %dma_start3A_571 = arith.constant 0 : i32
        %dma_start3A_572 = tpu.memref_slice %arg8[%dma_start3A_570, %dma_start3A_571] : memref<128x64xf32, #tpu.memory_space<vmem_shared>> -> memref<128x64xf32, #tpu.memory_space<vmem_shared>>
        tpu.enqueue_indirect_dma source(%dma_start3A_572 : memref<128x64xf32, #tpu.memory_space<vmem_shared>>) target(%dma_start3A_562 : memref<128x64xf32, #tpu.memory_space<vmem>>) offsets(%dma_start3A_569 : memref<128xi32, #tpu.memory_space<vmem>>) semaphore(%arg9 : memref<!tpu.dma_semaphore, #tpu.memory_space<semaphore_mem>>)
      } else {
      }
      %gt3A_357 = arith.constant 0 : i32
      %gt3A_358 = arith.cmpi sgt, %scan3A_136, %gt3A_357 : i32
      %convert_element_type3A_359 = arith.extui %gt3A_358 : i1 to i32
      %cond3A_360 = arith.constant 0 : i32
      %cond3A_361 = arith.cmpi ne, %convert_element_type3A_359, %cond3A_360 : i32
      scf.if %cond3A_361 {
        %sub3A_463 = arith.constant 1 : i32
        %sub3A_464 = arith.subi %mul3A_138, %sub3A_463 : i32
        %mul3A_465 = arith.constant 512 : i32
        %mul3A_466 = arith.muli %sub3A_464, %mul3A_465 : i32
        %add3A_467 = arith.addi %mul3A_2, %mul3A_466 : i32
        %dma_wait3A_468 = arith.constant 1 : i32
        %dma_wait3A_469 = arith.constant 0 : i32
        %dma_wait3A_470 = arith.constant 0 : i32
        %dma_wait3A_471 = tpu.memref_slice %arg7[%dma_wait3A_468, %dma_wait3A_469, %dma_wait3A_470] : memref<2x512x50xf32, #tpu.memory_space<vmem>> -> memref<1x512x50xf32, #tpu.memory_space<vmem>>
        %dma_wait3A_472 = tpu.memref_squeeze %dma_wait3A_471 : memref<1x512x50xf32, #tpu.memory_space<vmem>> -> memref<512x50xf32, #tpu.memory_space<vmem>>
        %dma_wait3A_473 = arith.constant 0 : i32
        %dma_wait3A_474 = tpu.memref_slice %arg4[%add3A_467, %dma_wait3A_473] : memref<3276800x50xf32, #tpu.memory_space<hbm>> -> memref<512x50xf32, #tpu.memory_space<hbm>>
        %dma_wait3A_475 = arith.constant 0 : i32
        %dma_wait3A_476 = tpu.memref_slice %arg4[%add3A_467, %dma_wait3A_475] : memref<3276800x50xf32, #tpu.memory_space<hbm>> -> memref<512x50xf32, #tpu.memory_space<hbm>>
        %dma_wait3A_477 = arith.constant 0 : i32
        %dma_wait3A_478 = arith.constant 0 : i32
        %dma_wait3A_479 = tpu.memref_slice %arg7[%dma_wait3A_468, %dma_wait3A_477, %dma_wait3A_478] : memref<2x512x50xf32, #tpu.memory_space<vmem>> -> memref<1x512x50xf32, #tpu.memory_space<vmem>>
        %dma_wait3A_480 = tpu.memref_squeeze %dma_wait3A_479 : memref<1x512x50xf32, #tpu.memory_space<vmem>> -> memref<512x50xf32, #tpu.memory_space<vmem>>
        tpu.wait_dma2 semaphore(%arg10 : memref<!tpu.dma_semaphore, #tpu.memory_space<semaphore_mem>>) src(%dma_wait3A_480 : memref<512x50xf32, #tpu.memory_space<vmem>>) dst(%dma_wait3A_476 : memref<512x50xf32, #tpu.memory_space<hbm>>)
      } else {
      }
      %add3A_362 = arith.constant 1 : i32
      %add3A_363 = arith.addi %mul3A_138, %add3A_362 : i32
      %dma_wait3A_364 = arith.constant 1 : i32
      %dma_wait3A_365 = arith.constant 0 : i32
      %dma_wait3A_366 = arith.constant 1 : i32
      %dma_wait3A_367 = arith.constant 0 : i32
      %dma_wait3A_368 = arith.constant 0 : i32
      %dma_wait3A_369 = tpu.memref_slice %arg6[%dma_wait3A_366, %dma_wait3A_367, %dma_wait3A_368] : memref<2x512x64xf32, #tpu.memory_space<vmem>> -> memref<1x512x64xf32, #tpu.memory_space<vmem>>
      %dma_wait3A_370 = tpu.memref_squeeze %dma_wait3A_369 : memref<1x512x64xf32, #tpu.memory_space<vmem>> -> memref<512x64xf32, #tpu.memory_space<vmem>>
      %dma_wait3A_371 = arith.constant 0 : i32
      %dma_wait3A_372 = arith.constant 0 : i32
      %dma_wait3A_373 = tpu.memref_slice %dma_wait3A_370[%dma_wait3A_371, %dma_wait3A_372] : memref<512x64xf32, #tpu.memory_space<vmem>> -> memref<128x64xf32, #tpu.memory_space<vmem>>
      %dma_wait3A_374 = arith.constant 0 : i32
      %dma_wait3A_375 = arith.constant 0 : i32
      %dma_wait3A_376 = tpu.memref_slice %arg5[%dma_wait3A_364, %dma_wait3A_374, %dma_wait3A_375] : memref<2x4x128xi32, #tpu.memory_space<vmem>> -> memref<1x4x128xi32, #tpu.memory_space<vmem>>
      %dma_wait3A_377 = tpu.memref_squeeze %dma_wait3A_376 : memref<1x4x128xi32, #tpu.memory_space<vmem>> -> memref<4x128xi32, #tpu.memory_space<vmem>>
      %dma_wait3A_378 = arith.constant 0 : i32
      %dma_wait3A_379 = tpu.memref_slice %dma_wait3A_377[%dma_wait3A_365, %dma_wait3A_378] : memref<4x128xi32, #tpu.memory_space<vmem>> -> memref<1x128xi32, #tpu.memory_space<vmem>>
      %dma_wait3A_380 = tpu.memref_squeeze %dma_wait3A_379 : memref<1x128xi32, #tpu.memory_space<vmem>> -> memref<128xi32, #tpu.memory_space<vmem>>
      %dma_wait3A_381 = arith.constant 0 : i32
      %dma_wait3A_382 = arith.constant 0 : i32
      %dma_wait3A_383 = tpu.memref_slice %arg8[%dma_wait3A_381, %dma_wait3A_382] : memref<128x64xf32, #tpu.memory_space<vmem_shared>> -> memref<128x64xf32, #tpu.memory_space<vmem_shared>>
      tpu.wait_indirect_dma semaphore(%arg9 : memref<!tpu.dma_semaphore, #tpu.memory_space<semaphore_mem>>) src(%dma_wait3A_383 : memref<128x64xf32, #tpu.memory_space<vmem_shared>>) dst(%dma_wait3A_373 : memref<128x64xf32, #tpu.memory_space<vmem>>)
      %dma_wait3A_384 = arith.constant 1 : i32
      %dma_wait3A_385 = arith.constant 1 : i32
      %dma_wait3A_386 = arith.constant 1 : i32
      %dma_wait3A_387 = arith.constant 0 : i32
      %dma_wait3A_388 = arith.constant 0 : i32
      %dma_wait3A_389 = tpu.memref_slice %arg6[%dma_wait3A_386, %dma_wait3A_387, %dma_wait3A_388] : memref<2x512x64xf32, #tpu.memory_space<vmem>> -> memref<1x512x64xf32, #tpu.memory_space<vmem>>
      %dma_wait3A_390 = tpu.memref_squeeze %dma_wait3A_389 : memref<1x512x64xf32, #tpu.memory_space<vmem>> -> memref<512x64xf32, #tpu.memory_space<vmem>>
      %dma_wait3A_391 = arith.constant 128 : i32
      %dma_wait3A_392 = arith.constant 0 : i32
      %dma_wait3A_393 = tpu.memref_slice %dma_wait3A_390[%dma_wait3A_391, %dma_wait3A_392] : memref<512x64xf32, #tpu.memory_space<vmem>> -> memref<128x64xf32, #tpu.memory_space<vmem>>
      %dma_wait3A_394 = arith.constant 0 : i32
      %dma_wait3A_395 = arith.constant 0 : i32
      %dma_wait3A_396 = tpu.memref_slice %arg5[%dma_wait3A_384, %dma_wait3A_394, %dma_wait3A_395] : memref<2x4x128xi32, #tpu.memory_space<vmem>> -> memref<1x4x128xi32, #tpu.memory_space<vmem>>
      %dma_wait3A_397 = tpu.memref_squeeze %dma_wait3A_396 : memref<1x4x128xi32, #tpu.memory_space<vmem>> -> memref<4x128xi32, #tpu.memory_space<vmem>>
      %dma_wait3A_398 = arith.constant 0 : i32
      %dma_wait3A_399 = tpu.memref_slice %dma_wait3A_397[%dma_wait3A_385, %dma_wait3A_398] : memref<4x128xi32, #tpu.memory_space<vmem>> -> memref<1x128xi32, #tpu.memory_space<vmem>>
      %dma_wait3A_400 = tpu.memref_squeeze %dma_wait3A_399 : memref<1x128xi32, #tpu.memory_space<vmem>> -> memref<128xi32, #tpu.memory_space<vmem>>
      %dma_wait3A_401 = arith.constant 0 : i32
      %dma_wait3A_402 = arith.constant 0 : i32
      %dma_wait3A_403 = tpu.memref_slice %arg8[%dma_wait3A_401, %dma_wait3A_402] : memref<128x64xf32, #tpu.memory_space<vmem_shared>> -> memref<128x64xf32, #tpu.memory_space<vmem_shared>>
      tpu.wait_indirect_dma semaphore(%arg9 : memref<!tpu.dma_semaphore, #tpu.memory_space<semaphore_mem>>) src(%dma_wait3A_403 : memref<128x64xf32, #tpu.memory_space<vmem_shared>>) dst(%dma_wait3A_393 : memref<128x64xf32, #tpu.memory_space<vmem>>)
      %dma_wait3A_404 = arith.constant 1 : i32
      %dma_wait3A_405 = arith.constant 2 : i32
      %dma_wait3A_406 = arith.constant 1 : i32
      %dma_wait3A_407 = arith.constant 0 : i32
      %dma_wait3A_408 = arith.constant 0 : i32
      %dma_wait3A_409 = tpu.memref_slice %arg6[%dma_wait3A_406, %dma_wait3A_407, %dma_wait3A_408] : memref<2x512x64xf32, #tpu.memory_space<vmem>> -> memref<1x512x64xf32, #tpu.memory_space<vmem>>
      %dma_wait3A_410 = tpu.memref_squeeze %dma_wait3A_409 : memref<1x512x64xf32, #tpu.memory_space<vmem>> -> memref<512x64xf32, #tpu.memory_space<vmem>>
      %dma_wait3A_411 = arith.constant 256 : i32
      %dma_wait3A_412 = arith.constant 0 : i32
      %dma_wait3A_413 = tpu.memref_slice %dma_wait3A_410[%dma_wait3A_411, %dma_wait3A_412] : memref<512x64xf32, #tpu.memory_space<vmem>> -> memref<128x64xf32, #tpu.memory_space<vmem>>
      %dma_wait3A_414 = arith.constant 0 : i32
      %dma_wait3A_415 = arith.constant 0 : i32
      %dma_wait3A_416 = tpu.memref_slice %arg5[%dma_wait3A_404, %dma_wait3A_414, %dma_wait3A_415] : memref<2x4x128xi32, #tpu.memory_space<vmem>> -> memref<1x4x128xi32, #tpu.memory_space<vmem>>
      %dma_wait3A_417 = tpu.memref_squeeze %dma_wait3A_416 : memref<1x4x128xi32, #tpu.memory_space<vmem>> -> memref<4x128xi32, #tpu.memory_space<vmem>>
      %dma_wait3A_418 = arith.constant 0 : i32
      %dma_wait3A_419 = tpu.memref_slice %dma_wait3A_417[%dma_wait3A_405, %dma_wait3A_418] : memref<4x128xi32, #tpu.memory_space<vmem>> -> memref<1x128xi32, #tpu.memory_space<vmem>>
      %dma_wait3A_420 = tpu.memref_squeeze %dma_wait3A_419 : memref<1x128xi32, #tpu.memory_space<vmem>> -> memref<128xi32, #tpu.memory_space<vmem>>
      %dma_wait3A_421 = arith.constant 0 : i32
      %dma_wait3A_422 = arith.constant 0 : i32
      %dma_wait3A_423 = tpu.memref_slice %arg8[%dma_wait3A_421, %dma_wait3A_422] : memref<128x64xf32, #tpu.memory_space<vmem_shared>> -> memref<128x64xf32, #tpu.memory_space<vmem_shared>>
      tpu.wait_indirect_dma semaphore(%arg9 : memref<!tpu.dma_semaphore, #tpu.memory_space<semaphore_mem>>) src(%dma_wait3A_423 : memref<128x64xf32, #tpu.memory_space<vmem_shared>>) dst(%dma_wait3A_413 : memref<128x64xf32, #tpu.memory_space<vmem>>)
      %dma_wait3A_424 = arith.constant 1 : i32
      %dma_wait3A_425 = arith.constant 3 : i32
      %dma_wait3A_426 = arith.constant 1 : i32
      %dma_wait3A_427 = arith.constant 0 : i32
      %dma_wait3A_428 = arith.constant 0 : i32
      %dma_wait3A_429 = tpu.memref_slice %arg6[%dma_wait3A_426, %dma_wait3A_427, %dma_wait3A_428] : memref<2x512x64xf32, #tpu.memory_space<vmem>> -> memref<1x512x64xf32, #tpu.memory_space<vmem>>
      %dma_wait3A_430 = tpu.memref_squeeze %dma_wait3A_429 : memref<1x512x64xf32, #tpu.memory_space<vmem>> -> memref<512x64xf32, #tpu.memory_space<vmem>>
      %dma_wait3A_431 = arith.constant 384 : i32
      %dma_wait3A_432 = arith.constant 0 : i32
      %dma_wait3A_433 = tpu.memref_slice %dma_wait3A_430[%dma_wait3A_431, %dma_wait3A_432] : memref<512x64xf32, #tpu.memory_space<vmem>> -> memref<128x64xf32, #tpu.memory_space<vmem>>
      %dma_wait3A_434 = arith.constant 0 : i32
      %dma_wait3A_435 = arith.constant 0 : i32
      %dma_wait3A_436 = tpu.memref_slice %arg5[%dma_wait3A_424, %dma_wait3A_434, %dma_wait3A_435] : memref<2x4x128xi32, #tpu.memory_space<vmem>> -> memref<1x4x128xi32, #tpu.memory_space<vmem>>
      %dma_wait3A_437 = tpu.memref_squeeze %dma_wait3A_436 : memref<1x4x128xi32, #tpu.memory_space<vmem>> -> memref<4x128xi32, #tpu.memory_space<vmem>>
      %dma_wait3A_438 = arith.constant 0 : i32
      %dma_wait3A_439 = tpu.memref_slice %dma_wait3A_437[%dma_wait3A_425, %dma_wait3A_438] : memref<4x128xi32, #tpu.memory_space<vmem>> -> memref<1x128xi32, #tpu.memory_space<vmem>>
      %dma_wait3A_440 = tpu.memref_squeeze %dma_wait3A_439 : memref<1x128xi32, #tpu.memory_space<vmem>> -> memref<128xi32, #tpu.memory_space<vmem>>
      %dma_wait3A_441 = arith.constant 0 : i32
      %dma_wait3A_442 = arith.constant 0 : i32
      %dma_wait3A_443 = tpu.memref_slice %arg8[%dma_wait3A_441, %dma_wait3A_442] : memref<128x64xf32, #tpu.memory_space<vmem_shared>> -> memref<128x64xf32, #tpu.memory_space<vmem_shared>>
      tpu.wait_indirect_dma semaphore(%arg9 : memref<!tpu.dma_semaphore, #tpu.memory_space<semaphore_mem>>) src(%dma_wait3A_443 : memref<128x64xf32, #tpu.memory_space<vmem_shared>>) dst(%dma_wait3A_433 : memref<128x64xf32, #tpu.memory_space<vmem>>)
      %parallel_loop3A_444 = arith.constant 0 : i32
      %parallel_loop3A_445 = arith.constant 512 : i32
      %parallel_loop3A_446 = arith.constant 1 : i32
      scf.for %parallel_loop3A_463 = %parallel_loop3A_444 to %parallel_loop3A_445 step %parallel_loop3A_446  : i32 {
        %parallel_loop3A_464 = arith.constant 1 : i32
        %parallel_loop3A_465 = arith.index_cast %parallel_loop3A_464 : i32 to index
        %parallel_loop3A_466 = arith.index_cast %parallel_loop3A_463 : i32 to index
        %parallel_loop3A_467 = arith.constant 0 : index
        %parallel_loop3A_468 = tpu.vector_load %arg6[%parallel_loop3A_465, %parallel_loop3A_466, %parallel_loop3A_467] {strides = array<i32>} : memref<2x512x64xf32, #tpu.memory_space<vmem>>, vector<1x1x16xf32>,
        %parallel_loop3A_469 = vector.shape_cast %parallel_loop3A_468 : vector<1x1x16xf32> to vector<16xf32>
        %parallel_loop3A_470 = arith.constant 1 : i32
        %parallel_loop3A_471 = arith.index_cast %parallel_loop3A_470 : i32 to index
        %parallel_loop3A_472 = arith.index_cast %parallel_loop3A_463 : i32 to index
        %parallel_loop3A_473 = arith.constant 0 : index
        %parallel_loop3A_474 = tpu.vector_load %arg7[%parallel_loop3A_471, %parallel_loop3A_472, %parallel_loop3A_473] {strides = array<i32>} : memref<2x512x50xf32, #tpu.memory_space<vmem>>, vector<1x1x16xf32>,
        %parallel_loop3A_475 = vector.shape_cast %parallel_loop3A_474 : vector<1x1x16xf32> to vector<16xf32>
        %parallel_loop3A_476 = vector.shape_cast %parallel_loop3A_469 : vector<16xf32> to vector<1x1x16xf32>
        tpu.vector_store %arg7[%parallel_loop3A_471, %parallel_loop3A_472, %parallel_loop3A_473], %parallel_loop3A_476 {strides = array<i32>} : memref<2x512x50xf32, #tpu.memory_space<vmem>>, vector<1x1x16xf32>,
        %parallel_loop3A_477 = arith.constant 1 : i32
        %parallel_loop3A_478 = arith.index_cast %parallel_loop3A_477 : i32 to index
        %parallel_loop3A_479 = arith.index_cast %parallel_loop3A_463 : i32 to index
        %parallel_loop3A_480 = arith.constant 16 : index
        %parallel_loop3A_481 = tpu.vector_load %arg6[%parallel_loop3A_478, %parallel_loop3A_479, %parallel_loop3A_480] {strides = array<i32>} : memref<2x512x64xf32, #tpu.memory_space<vmem>>, vector<1x1x16xf32>,
        %parallel_loop3A_482 = vector.shape_cast %parallel_loop3A_481 : vector<1x1x16xf32> to vector<16xf32>
        %parallel_loop3A_483 = arith.constant 1 : i32
        %parallel_loop3A_484 = arith.index_cast %parallel_loop3A_483 : i32 to index
        %parallel_loop3A_485 = arith.index_cast %parallel_loop3A_463 : i32 to index
        %parallel_loop3A_486 = arith.constant 16 : index
        %parallel_loop3A_487 = tpu.vector_load %arg7[%parallel_loop3A_484, %parallel_loop3A_485, %parallel_loop3A_486] {strides = array<i32>} : memref<2x512x50xf32, #tpu.memory_space<vmem>>, vector<1x1x16xf32>,
        %parallel_loop3A_488 = vector.shape_cast %parallel_loop3A_487 : vector<1x1x16xf32> to vector<16xf32>
        %parallel_loop3A_489 = vector.shape_cast %parallel_loop3A_482 : vector<16xf32> to vector<1x1x16xf32>
        tpu.vector_store %arg7[%parallel_loop3A_484, %parallel_loop3A_485, %parallel_loop3A_486], %parallel_loop3A_489 {strides = array<i32>} : memref<2x512x50xf32, #tpu.memory_space<vmem>>, vector<1x1x16xf32>,
        %parallel_loop3A_490 = arith.constant 1 : i32
        %parallel_loop3A_491 = arith.index_cast %parallel_loop3A_490 : i32 to index
        %parallel_loop3A_492 = arith.index_cast %parallel_loop3A_463 : i32 to index
        %parallel_loop3A_493 = arith.constant 32 : index
        %parallel_loop3A_494 = tpu.vector_load %arg6[%parallel_loop3A_491, %parallel_loop3A_492, %parallel_loop3A_493] {strides = array<i32>} : memref<2x512x64xf32, #tpu.memory_space<vmem>>, vector<1x1x16xf32>,
        %parallel_loop3A_495 = vector.shape_cast %parallel_loop3A_494 : vector<1x1x16xf32> to vector<16xf32>
        %parallel_loop3A_496 = arith.constant 1 : i32
        %parallel_loop3A_497 = arith.index_cast %parallel_loop3A_496 : i32 to index
        %parallel_loop3A_498 = arith.index_cast %parallel_loop3A_463 : i32 to index
        %parallel_loop3A_499 = arith.constant 32 : index
        %parallel_loop3A_500 = tpu.vector_load %arg7[%parallel_loop3A_497, %parallel_loop3A_498, %parallel_loop3A_499] {strides = array<i32>} : memref<2x512x50xf32, #tpu.memory_space<vmem>>, vector<1x1x16xf32>,
        %parallel_loop3A_501 = vector.shape_cast %parallel_loop3A_500 : vector<1x1x16xf32> to vector<16xf32>
        %parallel_loop3A_502 = vector.shape_cast %parallel_loop3A_495 : vector<16xf32> to vector<1x1x16xf32>
        tpu.vector_store %arg7[%parallel_loop3A_497, %parallel_loop3A_498, %parallel_loop3A_499], %parallel_loop3A_502 {strides = array<i32>} : memref<2x512x50xf32, #tpu.memory_space<vmem>>, vector<1x1x16xf32>,
        %parallel_loop3A_503 = arith.constant 1 : i32
        %parallel_loop3A_504 = arith.index_cast %parallel_loop3A_503 : i32 to index
        %parallel_loop3A_505 = arith.index_cast %parallel_loop3A_463 : i32 to index
        %parallel_loop3A_506 = arith.constant 34 : index
        %parallel_loop3A_507 = tpu.vector_load %arg6[%parallel_loop3A_504, %parallel_loop3A_505, %parallel_loop3A_506] {strides = array<i32>} : memref<2x512x64xf32, #tpu.memory_space<vmem>>, vector<1x1x16xf32>,
        %parallel_loop3A_508 = vector.shape_cast %parallel_loop3A_507 : vector<1x1x16xf32> to vector<16xf32>
        %parallel_loop3A_509 = arith.constant 1 : i32
        %parallel_loop3A_510 = arith.index_cast %parallel_loop3A_509 : i32 to index
        %parallel_loop3A_511 = arith.index_cast %parallel_loop3A_463 : i32 to index
        %parallel_loop3A_512 = arith.constant 34 : index
        %parallel_loop3A_513 = tpu.vector_load %arg7[%parallel_loop3A_510, %parallel_loop3A_511, %parallel_loop3A_512] {strides = array<i32>} : memref<2x512x50xf32, #tpu.memory_space<vmem>>, vector<1x1x16xf32>,
        %parallel_loop3A_514 = vector.shape_cast %parallel_loop3A_513 : vector<1x1x16xf32> to vector<16xf32>
        %parallel_loop3A_515 = vector.shape_cast %parallel_loop3A_508 : vector<16xf32> to vector<1x1x16xf32>
        tpu.vector_store %arg7[%parallel_loop3A_510, %parallel_loop3A_511, %parallel_loop3A_512], %parallel_loop3A_515 {strides = array<i32>} : memref<2x512x50xf32, #tpu.memory_space<vmem>>, vector<1x1x16xf32>,
      } {sc.loop_unroll_factor = 4 : i64, sc.parallel_access}
      %mul3A_447 = arith.constant 512 : i32
      %mul3A_448 = arith.muli %add3A_363, %mul3A_447 : i32
      %add3A_449 = arith.addi %mul3A_2, %mul3A_448 : i32
      %dma_start3A_450 = arith.constant 1 : i32
      %dma_start3A_451 = arith.constant 0 : i32
      %dma_start3A_452 = arith.constant 0 : i32
      %dma_start3A_453 = tpu.memref_slice %arg7[%dma_start3A_450, %dma_start3A_451, %dma_start3A_452] : memref<2x512x50xf32, #tpu.memory_space<vmem>> -> memref<1x512x50xf32, #tpu.memory_space<vmem>>
      %dma_start3A_454 = tpu.memref_squeeze %dma_start3A_453 : memref<1x512x50xf32, #tpu.memory_space<vmem>> -> memref<512x50xf32, #tpu.memory_space<vmem>>
      %dma_start3A_455 = arith.constant 0 : i32
      %dma_start3A_456 = tpu.memref_slice %arg4[%add3A_449, %dma_start3A_455] : memref<3276800x50xf32, #tpu.memory_space<hbm>> -> memref<512x50xf32, #tpu.memory_space<hbm>>
      %dma_start3A_457 = arith.constant 0 : i32
      %dma_start3A_458 = tpu.memref_slice %arg4[%add3A_449, %dma_start3A_457] : memref<3276800x50xf32, #tpu.memory_space<hbm>> -> memref<512x50xf32, #tpu.memory_space<hbm>>
      %dma_start3A_459 = arith.constant 0 : i32
      %dma_start3A_460 = arith.constant 0 : i32
      %dma_start3A_461 = tpu.memref_slice %arg7[%dma_start3A_450, %dma_start3A_459, %dma_start3A_460] : memref<2x512x50xf32, #tpu.memory_space<vmem>> -> memref<1x512x50xf32, #tpu.memory_space<vmem>>
      %dma_start3A_462 = tpu.memref_squeeze %dma_start3A_461 : memref<1x512x50xf32, #tpu.memory_space<vmem>> -> memref<512x50xf32, #tpu.memory_space<vmem>>
      tpu.enqueue_dma source(%dma_start3A_462 : memref<512x50xf32, #tpu.memory_space<vmem>>) target(%dma_start3A_458 : memref<512x50xf32, #tpu.memory_space<hbm>>) target_semaphore(%arg10 : memref<!tpu.dma_semaphore, #tpu.memory_space<semaphore_mem>>)
    }
    %scan3A_106 = arith.constant 100 : i32
    %add3A_107 = arith.constant 101376 : i32
    %add3A_108 = arith.addi %mul3A_2, %add3A_107 : i32
    %dma_wait3A = arith.constant 0 : i32
    %dma_wait3A_109 = arith.constant 0 : i32
    %dma_wait3A_110 = arith.constant 0 : i32
    %dma_wait3A_111 = tpu.memref_slice %arg7[%dma_wait3A, %dma_wait3A_109, %dma_wait3A_110] : memref<2x512x50xf32, #tpu.memory_space<vmem>> -> memref<1x512x50xf32, #tpu.memory_space<vmem>>
    %dma_wait3A_112 = tpu.memref_squeeze %dma_wait3A_111 : memref<1x512x50xf32, #tpu.memory_space<vmem>> -> memref<512x50xf32, #tpu.memory_space<vmem>>
    %dma_wait3A_113 = arith.constant 0 : i32
    %dma_wait3A_114 = tpu.memref_slice %arg4[%add3A_108, %dma_wait3A_113] : memref<3276800x50xf32, #tpu.memory_space<hbm>> -> memref<512x50xf32, #tpu.memory_space<hbm>>
    %dma_wait3A_115 = arith.constant 0 : i32
    %dma_wait3A_116 = tpu.memref_slice %arg4[%add3A_108, %dma_wait3A_115] : memref<3276800x50xf32, #tpu.memory_space<hbm>> -> memref<512x50xf32, #tpu.memory_space<hbm>>
    %dma_wait3A_117 = arith.constant 0 : i32
    %dma_wait3A_118 = arith.constant 0 : i32
    %dma_wait3A_119 = tpu.memref_slice %arg7[%dma_wait3A, %dma_wait3A_117, %dma_wait3A_118] : memref<2x512x50xf32, #tpu.memory_space<vmem>> -> memref<1x512x50xf32, #tpu.memory_space<vmem>>
    %dma_wait3A_120 = tpu.memref_squeeze %dma_wait3A_119 : memref<1x512x50xf32, #tpu.memory_space<vmem>> -> memref<512x50xf32, #tpu.memory_space<vmem>>
    tpu.wait_dma2 semaphore(%arg10 : memref<!tpu.dma_semaphore, #tpu.memory_space<semaphore_mem>>) src(%dma_wait3A_120 : memref<512x50xf32, #tpu.memory_space<vmem>>) dst(%dma_wait3A_116 : memref<512x50xf32, #tpu.memory_space<hbm>>)
    %add3A_121 = arith.constant 101888 : i32
    %add3A_122 = arith.addi %mul3A_2, %add3A_121 : i32
    %dma_wait3A_123 = arith.constant 1 : i32
    %dma_wait3A_124 = arith.constant 0 : i32
    %dma_wait3A_125 = arith.constant 0 : i32
    %dma_wait3A_126 = tpu.memref_slice %arg7[%dma_wait3A_123, %dma_wait3A_124, %dma_wait3A_125] : memref<2x512x50xf32, #tpu.memory_space<vmem>> -> memref<1x512x50xf32, #tpu.memory_space<vmem>>
    %dma_wait3A_127 = tpu.memref_squeeze %dma_wait3A_126 : memref<1x512x50xf32, #tpu.memory_space<vmem>> -> memref<512x50xf32, #tpu.memory_space<vmem>>
    %dma_wait3A_128 = arith.constant 0 : i32
    %dma_wait3A_129 = tpu.memref_slice %arg4[%add3A_122, %dma_wait3A_128] : memref<3276800x50xf32, #tpu.memory_space<hbm>> -> memref<512x50xf32, #tpu.memory_space<hbm>>
    %dma_wait3A_130 = arith.constant 0 : i32
    %dma_wait3A_131 = tpu.memref_slice %arg4[%add3A_122, %dma_wait3A_130] : memref<3276800x50xf32, #tpu.memory_space<hbm>> -> memref<512x50xf32, #tpu.memory_space<hbm>>
    %dma_wait3A_132 = arith.constant 0 : i32
    %dma_wait3A_133 = arith.constant 0 : i32
    %dma_wait3A_134 = tpu.memref_slice %arg7[%dma_wait3A_123, %dma_wait3A_132, %dma_wait3A_133] : memref<2x512x50xf32, #tpu.memory_space<vmem>> -> memref<1x512x50xf32, #tpu.memory_space<vmem>>
    %dma_wait3A_135 = tpu.memref_squeeze %dma_wait3A_134 : memref<1x512x50xf32, #tpu.memory_space<vmem>> -> memref<512x50xf32, #tpu.memory_space<vmem>>
    tpu.wait_dma2 semaphore(%arg10 : memref<!tpu.dma_semaphore, #tpu.memory_space<semaphore_mem>>) src(%dma_wait3A_135 : memref<512x50xf32, #tpu.memory_space<vmem>>) dst(%dma_wait3A_131 : memref<512x50xf32, #tpu.memory_space<hbm>>)
    return
  }
}

</mosaic_0001>

<sc_bundles>
// kernel: kernel.3.cloned.1.call-start
scs
__scs_entry_jumppad:
0x0: {  	(pc) =	sbr.rel $0x88, $3  }
0x1: {  	(tag) =	ssettag $0x0;
	lr =	simm.s32 $0x1  }
0x2: {  	[smem:$0x3F9F] =	sst lr;
	_ =	strace $0xD0000000  }
0x3: {  	_ = 	snop  }
0x4: {  	_ = 	snop  }
0x5: {  	_ = 	snop  }
0x6: {  	_ = 	snop  }
0x7: {  	_ = 	snop  }
__scs_overlays_trampoline_lowered:
0x8: {  	[smem:$0x3FAE] =	sst s0  }
0x9: {  	[smem:$0x3FAF] =	sst s1  }
0xa: {  	[smem:$0x3FB0] =	sst s2  }
0xb: {  	[smem:$0x3FB1] =	sst s3  }
0xc: {  	[smem:$0x3FB2] =	sst s4  }
0xd: {  	[smem:$0x3FB3] =	sst s5  }
0xe: {  	[smem:$0x3FB4] =	sst s6  }
0xf: {  	[smem:$0x3FB5] =	sst s7  }
0x10: {  	[smem:$0x3FB6] =	sst s8  }
0x11: {  	[smem:$0x3FB7] =	sst s9;
	s0 =	simm.s32 @!p0 $0x0  }
0x12: {  	s1 =	sld [smem:$0x3F9D];
	s0 =	simm.s32 @p0 $0x1  }
0x13: {  	[smem:$0x3FB8] =	sst s0;
	s0 =	simm.s32 @!p1 $0x0  }
0x14: {  	s2 =	sld [smem:$0x3F9C];
	s0 =	simm.s32 @p1 $0x1  }
0x15: {  	[smem:$0x3FB9] =	sst s0;
	s0 =	simm.s32 @!p2 $0x0  }
0x16: {  	s3 =	sld [smem:$0x3FDB];
	s0 =	simm.s32 @p2 $0x1  }
0x17: {  	s4 =	simm.s32 $0x1BF5;
	[smem:$0x3FBB] =	sst s0  }
0x18: {  	s0 =	sld [smem:$0x3F9E];
	_ =	swait.ge [sflag:s4], $0x0  }
0x19: {  	s7 =	sld [smem:$0x3F9F]  }
0x1a: {  	s8 =	sadd.s32 $0xFFFFE003, lr  }
0x1b: {  	s9 =	sadd.s32 $0xFFFFFEF7, lr;
	s5 =	simm.s32 $0xFFFFFFFF;
	p2 =	slt.u32 s8, $0xFFFFF086  }
0x1c: {  	p1 =	slt.u32 s9, $0xF7A;
	s5 =	simm.s32 @!p2 $0x0  }
0x1d: {  	s5 =	simm.s32 @p1 $0x1;
	p0 =	seq.s32 s7, s2  }
0x1e: {  	s7 =	smul.u32 @!p0 $0xF7A, s2;
	p2 =	seq.s32 @!p0 s5, $0x0  }
0x1f: {  	s9 =	smul.u32 $0xF7A, s1;
	s8 =	simm.s32 @!p0 $0x1BF5;
	p2 =	por !p2, p0  }
0x20: {  	[sflag:s8] =	ssyncset.s32 @!p0 $0xFFFFF086;
	s6 =	sadd.s32 @!p0 s3, s7;
	s7 =	simm.s32 @!p0 $0x108  }
0x21: {  	s3 =	sadd.s32 s3, s9;
	s6 =	sadd.s32 @!p0 $0x88, s6;
	s7 =	simm.s32 @p2 $0x1082  }
0x22: {  	[simem:s7], [sflag:s8] =	dma.local @!p0 [hbm:s6], $0xF7A  }
0x23: {  	s9 =	sor.u32 $0xD0000000, s2;
	s6 =	simm.s32 $0x108;
	_ =	swait.ge @!p0 [sflag:s8], $0x0  }
0x24: {  	s3 =	sadd.s32 $0x88, s3;
	s6 =	simm.s32 @!p1 $0x1082;
	[sflag:s4] =	ssyncset.s32 $0xFFFFF086  }
0x25: {  	[simem:s6], [sflag:s4] =	dma.local [hbm:s3], $0xF7A  }
0x26: {  	[smem:$0x3F9F] =	sst s1;
	(tag) =	ssettag s2;
	_ =	strace s9  }
0x27: {  	s1 =	sld [smem:$0x3FAF]  }
0x28: {  	s2 =	sld [smem:$0x3FB0]  }
0x29: {  	s4 =	sld [smem:$0x3FB2]  }
0x2a: {  	p0 =	seq.s32 s5, $0x0;
	s5 =	sld [smem:$0x3FB3]  }
0x2b: {  	s6 =	sld [smem:$0x3FB4]  }
0x2c: {  	s7 =	sld [smem:$0x3FB5]  }
0x2d: {  	s3 =	simm.s32 $0x108;
	s8 =	sld [smem:$0x3FB6]  }
0x2e: {  	s3 =	simm.s32 @!p0 $0x1082;
	s9 =	sld [smem:$0x3FB7]  }
0x2f: {  	lr =	sadd.s32 s0, s3;
	s0 =	sld [smem:$0x3FAE]  }
0x30: {  	s3 =	sld [smem:$0x3FB1]  }
0x31: {  	[smem:$0x3FBA] =	sst s10  }
0x32: {  	s10 =	sld [smem:$0x3FB8];
	_ =	sdelay $0x3  }
0x33: {  	p0 =	seq.s32 s10, $0x1;
	s10 =	sld [smem:$0x3FBA];
	_ =	sdelay $0x3  }
0x34: {  	[smem:$0x3FBA] =	sst s10  }
0x35: {  	s10 =	sld [smem:$0x3FB9];
	_ =	sdelay $0x3  }
0x36: {  	p1 =	seq.s32 s10, $0x1;
	s10 =	sld [smem:$0x3FBA];
	_ =	sdelay $0x3  }
0x37: {  	[smem:$0x3FBA] =	sst s10  }
0x38: {  	s10 =	sld [smem:$0x3FBB]  }
0x39: {  	_ = 	snop;
	(pc) =	sbr.ind lr, $3  }
0x3a: {  	_ = 	snop  }
0x3b: {  	_ = 	snop  }
0x3c: {  	p2 =	seq.s32 s10, $0x1;
	s10 =	sld [smem:$0x3FBA]  }
0x3d: {  	_ =	shalt  }
0x3e: {  	_ =	shalt  }
0x3f: {  	_ =	shalt  }
0x40: {  	_ =	shalt  }
0x41: {  	_ =	shalt  }
0x42: {  	_ =	shalt  }
0x43: {  	_ =	shalt  }
0x44: {  	_ =	shalt  }
0x45: {  	_ =	shalt  }
0x46: {  	_ =	shalt  }
0x47: {  	_ =	shalt  }
0x48: {  	_ =	shalt  }
0x49: {  	_ =	shalt  }
0x4a: {  	_ =	shalt  }
0x4b: {  	_ =	shalt  }
0x4c: {  	_ =	shalt  }
0x4d: {  	_ =	shalt  }
0x4e: {  	_ =	shalt  }
0x4f: {  	_ =	shalt  }
0x50: {  	_ =	shalt  }
0x51: {  	_ =	shalt  }
0x52: {  	_ =	shalt  }
0x53: {  	_ =	shalt  }
0x54: {  	_ =	shalt  }
0x55: {  	_ =	shalt  }
0x56: {  	_ =	shalt  }
0x57: {  	_ =	shalt  }
0x58: {  	_ =	shalt  }
0x59: {  	_ =	shalt  }
0x5a: {  	_ =	shalt  }
0x5b: {  	_ =	shalt  }
0x5c: {  	_ =	shalt  }
0x5d: {  	_ =	shalt  }
0x5e: {  	_ =	shalt  }
0x5f: {  	_ =	shalt  }
0x60: {  	_ =	shalt  }
0x61: {  	_ =	shalt  }
0x62: {  	_ =	shalt  }
0x63: {  	_ =	shalt  }
0x64: {  	_ =	shalt  }
0x65: {  	_ =	shalt  }
0x66: {  	_ =	shalt  }
0x67: {  	_ =	shalt  }
0x68: {  	_ =	shalt  }
0x69: {  	_ =	shalt  }
0x6a: {  	_ =	shalt  }
0x6b: {  	_ =	shalt  }
0x6c: {  	_ =	shalt  }
0x6d: {  	_ =	shalt  }
0x6e: {  	_ =	shalt  }
0x6f: {  	_ =	shalt  }
0x70: {  	_ =	shalt  }
0x71: {  	_ =	shalt  }
0x72: {  	_ =	shalt  }
0x73: {  	_ =	shalt  }
0x74: {  	_ =	shalt  }
0x75: {  	_ =	shalt  }
0x76: {  	_ =	shalt  }
0x77: {  	_ =	shalt  }
0x78: {  	_ =	shalt  }
0x79: {  	_ =	shalt  }
0x7a: {  	_ =	shalt  }
0x7b: {  	_ =	shalt  }
0x7c: {  	_ =	shalt  }
0x7d: {  	_ =	shalt  }
0x7e: {  	_ =	shalt  }
0x7f: {  	_ =	shalt  }
0x80: {  	_ =	shalt  }
0x81: {  	_ =	shalt  }
0x82: {  	_ =	shalt  }
0x83: {  	_ =	shalt  }
0x84: {  	_ =	shalt  }
0x85: {  	_ =	shalt  }
0x86: {  	_ =	shalt  }
0x87: {  	_ =	shalt  }
.Lfunc_end0:
.L_simem_size_0:
called_computation.1_lowered:
.L_overlay_start_0:
0x88: {  	s2 =	sld [smem:$0x3FD9]  }
0x89: {  	s3 =	sld [smem:$0x3FFE];
	_ =	sdelay $0x1  }
0x8a: {  	s1 =	srdreg.scid  }
0x8b: {  	s0 =	sand.u32 $0x1, s1  }
0x8c: {  	s17 =	sshll.u32 s0, $0xA;
	s2 =	sadd.s32 s3, s2  }
0x8d: {  	s2 =	sadd.s32 s2, s17  }
0x8e: {  	[smem:$0x3FC6] =	sst s2  }
0x8f: {  	_ = 	snop  }
0x90: {  	s2 =	sld [smem:$0x3FD0];
	(tm) =	ssettm $0x1  }
0x91: {  	s18 =	sld [smem:$0x3FFB];
	_ =	sdelay $0x3  }
0x92: {  	_ =	strace s18  }
0x93: {  	s3 =	sld [smem:$0x3FFC];
	_ =	sdelay $0x3  }
0x94: {  	_ =	strace s3  }
0x95: {  	s3 =	sld [smem:$0x3FFD];
	_ =	sdelay $0x3  }
0x96: {  	_ =	strace s3  }
0x97: {  	_ =	strace $0x8FFFFFFF  }
0x98: {  	s19 =	sld [smem:$0x3FDB];
	_ =	sdelay $0x1  }
0x99: {  	s4 =	simm.s32 $_scs_section_size  }
0x9a: {  	s5 =	simm.s32 $_size__tile_overlayer_lowered;
	s6 =	simm.s32 $_tile_overlayer_lowered  }
0x9b: {  	s22 =	simm.s32 $0x1BFF;
	s21 =	sshll.u32 s6, $0x1;
	s3 =	sadd.s32 s4, s19  }
0x9c: {  	s7 =	simm.s32 $0x0;
	s20 =	sshll.u32 s5, $0x1;
	s5 =	sadd.s32 s21, s3  }
0x9d: {  	[timem:s7], [sflag:s22] =	dma.local [hbm:s5], s20  }
0x9e: {  	_ =	swait.ge [sflag:s22], s20  }
0x9f: {  	s4 =	ssub.s32 $0x0, s20;
	[sflag:s22] =	ssyncset.done $0x0  }
0xa0: {  	[sflag:s22] =	ssyncadd.s32 s4;
	_ =	sdelay $0x1  }
0xa1: {  	s23 =	simm.s32 $0x1B8B  }
0xa2: {  	_ =	swait.ge [sflag:s23], $0x1  }
0xa3: {  	[sflag:s23] =	ssyncset.done $0x0  }
0xa4: {  	s25 =	simm.s32 $0x1B8E;
	s24 =	sld [smem:$0x3FFE];
	[sflag:s23] =	ssyncadd.s32 $0xFFFFFFFF  }
0xa5: {  	s26 =	simm.s32 $execute0_lowered;
	[smem:$0x3FD2] =	sst s25  }
0xa6: {  	s5 =	sshll.u32 s26, $0x1;
	_ =	strace $0x80000046;
	[dreg:$0x1] =	wrdreg $0xFFFFFFFF  }
0xa7: {  	s28 =	simm.s32 $_size_execute0_lowered;
	s3 =	sadd.s32 s3, s5;
	[dreg:$0x0] =	wrdreg $0x0  }
0xa8: {  	s5 =	sshll.u32 s28, $0x1;
	[dreg:$0x2] =	wrdreg s3  }
0xa9: {  	[dreg:$0x3] =	wrdreg s5  }
0xaa: {  	[dreg:$0x4] =	wrdreg $0xC0  }
0xab: {  	_ =	task [dreg:s7], $0x5FFFF  }
0xac: {  	[dreg:$0x1] =	wrdreg $0xFFFFFFFF  }
0xad: {  	[dreg:$0x0] =	wrdreg $0x60  }
0xae: {  	[dreg:$0x2] =	wrdreg s2  }
0xaf: {  	[dreg:$0x3] =	wrdreg s24  }
0xb0: {  	[dreg:$0x4] =	wrdreg $0x1E4000  }
0xb1: {  	[dreg:$0x5] =	wrdreg $0x9  }
0xb2: {  	_ =	task.clear_ibuf [dreg:s7], $0x6FFFF;
	_ =	strace $0x90000046  }
0xb3: {  	s29 =	simm.s32 $0x9;
	_ =	strace $0x80000048  }
0xb4: {  	_ =	swait.ge [sflag:s29], $0x1  }
0xb5: {  	[sflag:s29] =	ssyncadd.s32 $0xFFFFFFFF  }
0xb6: {  	_ =	strace $0x90000048  }
0xb7: {  	_ =	sfence  }
0xb8: {  	s30 =	sld [smem:$0x0];
	_ =	sdelay $0x2  }
0xb9: {  	s31 =	sshll.u32 s1, $0xD;
	s1 =	sshrl.u32 s1, $0x2  }
0xba: {  	s3 =	sand.u32 $0x4000, s31;
	s1 =	sadd.s32 s1, s30  }
0xbb: {  	s0 =	sor.u32 s3, s0;
	s1 =	sshll.u32 s1, $0x11  }
0xbc: {  	s0 =	sor.u32 s1, s0  }
0xbd: {  	s0 =	sadd.s32 $0x8F2B, s0  }
0xbe: {  	[sflag:s0] =	ssyncadd.remote.s32 $0x1  }
0xbf: {  	_ =	sfence.sel $0xFFFF  }
0xc0: {  	[dreg:$0x0] =	wrdreg $0xFFFFFFFF;
	(pc) =	sbr.abs _section_cstart, $3  }
0xc1: {  	[dreg:$0x1] =	wrdreg $0xFFFFFFFF  }
0xc2: {  	_ =	task.clear_ibuf [dreg:s7], $0x2FFFF;
	_ =	strace $0x9FFFFFFF  }
0xc3: {  	(tm) =	ssettm $0x7FFFFFFF  }
tec
execute0_lowered:
.L_overlay_start_1:
0x0: {  	(tag) =	ssettag $0x1  }
0x1: {  	s0 =	rddreg [dreg:$0x0]  }
0x2: {  	s1 =	rddreg [dreg:$0x1]  }
0x3: {  	s3 =	srdreg.scid;
	s5 =	stileid.u32  }
0x4: {  	s2 =	rddreg [dreg:$0x2];
	s11 =	simm.s32 $0x3;
	s12 =	simm.s32 $0x80  }
0x5: {  	s19 =	simm.s32 $0x200;
	s20 =	simm.s32 $0x8400;
	s21 =	simm.s32 $0x280  }
0x6: {  	s22 =	simm.s32 $0xA400;
	s23 =	simm.s32 $0x300;
	s28 =	simm.s32 $0x1  }
0x7: {  	s29 =	simm.s32 $0x10400;
	s30 =	simm.s32 $0x17400;
	s31 =	simm.s32 $0x2  }
0x8: {  	s6 =	sand.u32 $0x1, s3;
	s4 =	sshll.u32 s5, $0x1;
	s3 =	simm.s32 $0x0  }
0x9: {  	s7 =	sadd.s32 $0x400, s1;
	p0 =	sne.s32 s5, $0x0;
	s4 =	sor.u32 s6, s4  }
0xa: {  	[smem:$0x7FF] =	sst s3;
	s24 =	ssub.s32 $0x2, s6;
	s6 =	sadd.s32 $0x800, s1  }
0xb: {  	s10 =	sshrl.u32 @!p0 s2, $0x3;
	s4 =	smul.u32 $0x19000, s4;
	s25 =	sshrl.u32 s24, $0x1  }
0xc: {  	_ =	strace $0x80000047;
	[dreg:$0x4] =	wrdreg s7;
	s1 =	ssub.s32 s24, s25  }
0xd: {  	s24 =	simm.s32 $0xC400;
	s25 =	simm.s32 $0x380;
	s8 =	sshrl.u32 s4, $0x3  }
0xe: {  	s9 =	smax.u32 s1, $0x1;
	s1 =	simm.s32 $0x0;
	s26 =	sadd.s32 s0, s8  }
0xf: {  	s8 =	sor.u32 $0x400, s4;
	[dreg:$0x5] =	wrdreg s26;
	s26 =	simm.s32 $0xE400  }
.LBB2_1:
0x10: {  	s5 =	simm.s32 @!p0 $0x1C03;
	s7 =	rddreg [dreg:$0x4]  }
0x11: {  	[spmem:s10], [sflag:s5] =	dma.local @!p0 [hbm:s7], $0x400  }
0x12: {  	s5 =	simm.s32 @!p0 $0x3  }
0x13: {  	_ =	swait.ge @!p0 [sflag:s5], $0x400  }
0x14: {  	[sflag:s5] =	ssyncset.done @!p0 $0x0  }
0x15: {  	[sflag:s5] =	ssyncadd.s32 @!p0 $0xFFFFFC00  }
0x16: {  	[bflag:$0x0] =	sbarrier.arrive $0xFFFF  }
0x17: {  	s7 =	rddreg [dreg:$0x5]  }
0x18: {  	[tilespmem:s3], [sflag:$0x3] =	stream.linear.gather [hbm4b:s7+s3], $0x200, $0x38;
	[tilespmem:$0x1E600] =	vst v63  }
0x19: {  	_ =	swait.ge [sflag:s11], $0x200  }
0x1a: {  	[sflag:s11] =	ssyncset.done $0x0  }
0x1b: {  	s13 =	simm.s32 $0x400;
	[sflag:s11] =	ssyncadd.s32 $0xFFFFFE00  }
0x1c: {  	[tilespmem:s13], [sflag:$0x1] =	stream.indirect.gather [spmem:s2], $0x40, s3, s12, $0xb8;
	[tilespmem:$0x1E600] =	vst v63  }
0x1d: {  	s14 =	simm.s32 $0x2400  }
0x1e: {  	[tilespmem:s14], [sflag:$0x1] =	stream.indirect.gather [spmem:s2], $0x40, s12, s12, $0xb8;
	[tilespmem:$0x1E600] =	vst v63  }
0x1f: {  	s15 =	simm.s32 $0x100;
	s16 =	simm.s32 $0x4400  }
0x20: {  	[tilespmem:s16], [sflag:$0x1] =	stream.indirect.gather [spmem:s2], $0x40, s15, s12, $0xb8;
	[tilespmem:$0x1E600] =	vst v63  }
0x21: {  	s17 =	simm.s32 $0x180;
	s18 =	simm.s32 $0x6400;
	s13 =	simm.s32 $0x0  }
0x22: {  	[tilespmem:s18], [sflag:$0x1] =	stream.indirect.gather [spmem:s2], $0x40, s17, s12, $0xb8;
	[tilespmem:$0x1E600] =	vst v63  }
.LBB2_2:
0x23: {  	s15 =	sshll.u32 s13, $0xA  }
0x24: {  	s5 =	sadd.s32 s15, s4  }
0x25: {  	s14 =	sadd.s32 $0x200, s5  }
0x26: {  	s5 =	sshrl.u32 s14, $0x3  }
0x27: {  	s5 =	sadd.s32 s0, s5  }
0x28: {  	[tilespmem:s19], [sflag:$0x3] =	stream.linear.gather [hbm4b:s5+s3], $0x200, $0x38;
	[tilespmem:$0x1E600] =	vst v63  }
0x29: {  	_ =	swait.ge [sflag:s11], $0x200  }
0x2a: {  	[sflag:s11] =	ssyncset.done $0x0  }
0x2b: {  	[sflag:s11] =	ssyncadd.s32 $0xFFFFFE00  }
0x2c: {  	[tilespmem:s20], [sflag:$0x1] =	stream.indirect.gather [spmem:s2], $0x40, s19, s12, $0xb8;
	[tilespmem:$0x1E600] =	vst v63  }
0x2d: {  	_ = 	snop  }
0x2e: {  	[tilespmem:s22], [sflag:$0x1] =	stream.indirect.gather [spmem:s2], $0x40, s21, s12, $0xb8;
	[tilespmem:$0x1E600] =	vst v63  }
0x2f: {  	p1 =	seq.s32 s13, $0x0  }
0x30: {  	[tilespmem:s24], [sflag:$0x1] =	stream.indirect.gather [spmem:s2], $0x40, s23, s12, $0xb8;
	[tilespmem:$0x1E600] =	vst v63  }
0x31: {  	s5 =	simm.s32 @!p1 $0x2  }
0x32: {  	[tilespmem:s26], [sflag:$0x1] =	stream.indirect.gather [spmem:s2], $0x40, s25, s12, $0xb8;
	[tilespmem:$0x1E600] =	vst v63  }
0x33: {  	_ =	swait.ge @!p1 [sflag:s5], $0x7000  }
0x34: {  	[sflag:s5] =	ssyncset.done @!p1 $0x0  }
0x35: {  	[sflag:s5] =	ssyncadd.s32 @!p1 $0xFFFF9000  }
0x36: {  	_ =	swait.ge [sflag:s28], $0x2000  }
0x37: {  	[sflag:s28] =	ssyncset.done $0x0  }
0x38: {  	[sflag:s28] =	ssyncadd.s32 $0xFFFFE000  }
0x39: {  	_ =	swait.ge [sflag:s28], $0x2000  }
0x3a: {  	[sflag:s28] =	ssyncset.done $0x0  }
0x3b: {  	[sflag:s28] =	ssyncadd.s32 $0xFFFFE000  }
0x3c: {  	_ =	swait.ge [sflag:s28], $0x2000  }
0x3d: {  	[sflag:s28] =	ssyncset.done $0x0  }
0x3e: {  	[sflag:s28] =	ssyncadd.s32 $0xFFFFE000  }
0x3f: {  	_ =	swait.ge [sflag:s28], $0x2000  }
0x40: {  	[sflag:s28] =	ssyncset.done $0x0  }
0x41: {  	s7 =	simm.s32 $0x480;
	[sflag:s28] =	ssyncadd.s32 $0xFFFFE000  }
0x42: {  	v1 =	vld [tilespmem:s7+$0xFFFFFFC0]  }
0x43: {  	v0 =	vld [tilespmem:s7+$0x40]  }
0x44: {  	v2 =	vld [tilespmem:s7+$0x0];
	_ =	sdelay $0x1  }
0x45: {  	s16 =	simm.s32 $0x10470  }
0x46: {  	v3 =	vld [tilespmem:s7+$0xFFFFFF80];
	[tilespmem:s16+$0xFFFFFFC8] =	vst v1  }
0x47: {  	[tilespmem:s16+$0x38] =	vst v0;
	v1 =	vld [tilespmem:s7+$0xFFFFFFD0]  }
0x48: {  	[tilespmem:s16+$0x0] =	vst v2;
	v0 =	vld [tilespmem:s7+$0x50]  }
0x49: {  	v2 =	vld [tilespmem:s7+$0x10]  }
0x4a: {  	s17 =	simm.s32 $0x580  }
0x4b: {  	v4 =	vld [tilespmem:s17+$0x40];
	[tilespmem:s16+$0xFFFFFF90] =	vst v3  }
0x4c: {  	v3 =	vld [tilespmem:s7+$0xFFFFFF90];
	[tilespmem:s16+$0xFFFFFFD8] =	vst v1  }
0x4d: {  	[tilespmem:s16+$0x48] =	vst v0;
	v1 =	vld [tilespmem:s7+$0xFFFFFFE0]  }
0x4e: {  	[tilespmem:s16+$0x10] =	vst v2;
	v0 =	vld [tilespmem:s7+$0x60]  }
0x4f: {  	s18 =	simm.s32 $0x10550;
	v2 =	vld [tilespmem:s7+$0x20]  }
0x50: {  	v5 =	vld [tilespmem:s17+$0xFFFFFFC0];
	[tilespmem:s18+$0x38] =	vst v4  }
0x51: {  	v4 =	vld [tilespmem:s17+$0x50];
	[tilespmem:s16+$0xFFFFFFA0] =	vst v3  }
0x52: {  	[tilespmem:s16+$0xFFFFFFE8] =	vst v1;
	v1 =	vld [tilespmem:s17+$0x0]  }
0x53: {  	v3 =	vld [tilespmem:s17+$0xFFFFFF80];
	[tilespmem:s16+$0x58] =	vst v0  }
0x54: {  	[tilespmem:s16+$0x20] =	vst v2;
	v2 =	vld [tilespmem:s7+$0xFFFFFFA0]  }
0x55: {  	[tilespmem:s18+$0xFFFFFFC8] =	vst v5;
	v0 =	vld [tilespmem:s7+$0x62]  }
0x56: {  	v5 =	vld [tilespmem:s17+$0xFFFFFFD0];
	[tilespmem:s18+$0x48] =	vst v4  }
0x57: {  	[tilespmem:s18+$0x0] =	vst v1;
	v1 =	vld [tilespmem:s7+$0xFFFFFFE2]  }
0x58: {  	[tilespmem:s18+$0xFFFFFF90] =	vst v3;
	v6 =	vld [tilespmem:s17+$0x10]  }
0x59: {  	v7 =	vld [tilespmem:s17+$0xFFFFFF90];
	[tilespmem:s16+$0xFFFFFFB0] =	vst v2  }
0x5a: {  	[tilespmem:s16+$0x5A] =	vst v0;
	v0 =	vld [tilespmem:s7+$0xFFFFFFA2]  }
0x5b: {  	[tilespmem:s18+$0xFFFFFFD8] =	vst v5;
	v2 =	vld [tilespmem:s17+$0x60]  }
0x5c: {  	v3 =	vld [tilespmem:s17+$0xFFFFFFE0];
	[tilespmem:s16+$0xFFFFFFEA] =	vst v1  }
0x5d: {  	v1 =	vld [tilespmem:s7+$0x22];
	[tilespmem:s18+$0x10] =	vst v6  }
0x5e: {  	s5 =	simm.s32 $0x4;
	[tilespmem:s18+$0xFFFFFFA0] =	vst v7;
	s7 =	simm.s32 $0x680;
	v4 =	vld [tilespmem:s17+$0x20]  }
.LBB2_3:
0x5f: {  	v5 =	vld [tilespmem:s7+$0x40];
	s5 =	sadd.s32 $0x4, s5;
	[tilespmem:s16+$0xFFFFFFB2] =	vst v0  }
0x60: {  	v0 =	vld [tilespmem:s7+$0xFFFFFFC0];
	p1 =	slt.u32 s5, $0x1FC;
	[tilespmem:s18+$0x58] =	vst v2  }
0x61: {  	[tilespmem:s18+$0xFFFFFFE8] =	vst v3;
	v2 =	vld [tilespmem:s17+$0x62]  }
0x62: {  	v3 =	vld [tilespmem:s7+$0x0];
	[tilespmem:s16+$0x22] =	vst v1;
	s16 =	smov.u32 s18  }
0x63: {  	s18 =	sadd.s32 $0xE0, s18;
	v1 =	vld [tilespmem:s7+$0xFFFFFF80];
	[tilespmem:s16+$0x20] =	vst v4  }
0x64: {  	[tilespmem:s18+$0x38] =	vst v5;
	v4 =	vld [tilespmem:s17+$0xFFFFFFA0]  }
0x65: {  	[tilespmem:s18+$0xFFFFFFC8] =	vst v0;
	v0 =	vld [tilespmem:s7+$0x50]  }
0x66: {  	v5 =	vld [tilespmem:s7+$0xFFFFFFD0];
	[tilespmem:s16+$0x5A] =	vst v2  }
0x67: {  	[tilespmem:s18+$0x0] =	vst v3;
	v6 =	vld [tilespmem:s17+$0xFFFFFFE2]  }
0x68: {  	[tilespmem:s18+$0xFFFFFF90] =	vst v1;
	v1 =	vld [tilespmem:s7+$0x10]  }
0x69: {  	v7 =	vld [tilespmem:s7+$0xFFFFFF90];
	[tilespmem:s16+$0xFFFFFFB0] =	vst v4  }
.Ltmp0:
0x6a: {  	[tilespmem:s18+$0x48] =	vst v0;
	v0 =	vld [tilespmem:s17+$0xFFFFFFA2];
	(pc) =	sbr.rel @p1 .LBB2_3-.Ltmp0, $4  }
0x6b: {  	[tilespmem:s18+$0xFFFFFFD8] =	vst v5;
	v2 =	vld [tilespmem:s7+$0x60]  }
0x6c: {  	v3 =	vld [tilespmem:s7+$0xFFFFFFE0];
	[tilespmem:s16+$0xFFFFFFEA] =	vst v6  }
0x6d: {  	[tilespmem:s18+$0x10] =	vst v1;
	v1 =	vld [tilespmem:s17+$0x22];
	s17 =	smov.u32 s7  }
0x6e: {  	s7 =	sadd.s32 $0x100, s7;
	[tilespmem:s18+$0xFFFFFFA0] =	vst v7;
	v4 =	vld [tilespmem:s17+$0x20]  }
0x6f: {  	v5 =	vld [tilespmem:s17+$0xFFFFFFA0]  }
0x70: {  	[tilespmem:s16+$0xFFFFFFB2] =	vst v0  }
0x71: {  	[tilespmem:s18+$0x58] =	vst v2  }
0x72: {  	[tilespmem:s18+$0xFFFFFFE8] =	vst v3;
	v2 =	vld [tilespmem:s17+$0x62]  }
0x73: {  	v3 =	vld [tilespmem:s17+$0xFFFFFFE2];
	[tilespmem:s18+$0x20] =	vst v4  }
0x74: {  	[tilespmem:s18+$0xFFFFFFB0] =	vst v5;
	v0 =	vld [tilespmem:s17+$0x22]  }
0x75: {  	v4 =	vld [tilespmem:s17+$0xFFFFFFA2]  }
0x76: {  	[tilespmem:s16+$0x22] =	vst v1  }
0x77: {  	s5 =	sadd.s32 s4, s15;
	[tilespmem:s18+$0x5A] =	vst v2  }
0x78: {  	s5 =	smul.u32 $0x7, s5;
	[tilespmem:s18+$0xFFFFFFEA] =	vst v3  }
0x79: {  	[tilespmem:s18+$0x22] =	vst v0  }
0x7a: {  	p1 =	seq.s32 s13, $0x63;
	s5 =	sadd.s32 s6, s5;
	[tilespmem:s18+$0xFFFFFFB2] =	vst v4  }
0x7b: {  	[hbm4b:s5+s3] =	stream.linear.scatter [tilespmem:s29], [sflag:$0x2], $0x7000, $0x38;
	[tilespmem:$0x1E600] =	vst v63  }
0x7c: {  	s5 =	sadd.s32 @!p1 s15, s8  }
0x7d: {  	s5 =	sshrl.u32 @!p1 s5, $0x3  }
0x7e: {  	s7 =	simm.s32 @!p1 $0x0;
	s5 =	sadd.s32 @!p1 s0, s5  }
0x7f: {  	[tilespmem:s7], [sflag:$0x3] =	stream.linear.gather @!p1 [hbm4b:s5+s7], $0x200, $0x38;
	[tilespmem:$0x1E600] =	vst v63  }
0x80: {  	s5 =	simm.s32 @!p1 $0x3  }
0x81: {  	_ =	swait.ge @!p1 [sflag:s5], $0x200  }
0x82: {  	[sflag:s5] =	ssyncset.done @!p1 $0x0  }
0x83: {  	s15 =	simm.s32 @!p1 $0x400;
	[sflag:s5] =	ssyncadd.s32 @!p1 $0xFFFFFE00;
	s5 =	simm.s32 @!p1 $0x80  }
0x84: {  	[tilespmem:s15], [sflag:$0x1] =	stream.indirect.gather @!p1 [spmem:s2], $0x40, s7, s5, $0xb8;
	[tilespmem:$0x1E600] =	vst v63  }
0x85: {  	s7 =	simm.s32 @!p1 $0x2400  }
0x86: {  	[tilespmem:s7], [sflag:$0x1] =	stream.indirect.gather @!p1 [spmem:s2], $0x40, s5, s5, $0xb8;
	[tilespmem:$0x1E600] =	vst v63  }
0x87: {  	s15 =	simm.s32 @!p1 $0x4400;
	s7 =	simm.s32 @!p1 $0x100  }
0x88: {  	[tilespmem:s15], [sflag:$0x1] =	stream.indirect.gather @!p1 [spmem:s2], $0x40, s7, s5, $0xb8;
	[tilespmem:$0x1E600] =	vst v63  }
0x89: {  	p2 =	seq.s32 @!p1 s13, $0x0;
	s7 =	simm.s32 @!p1 $0x180;
	s15 =	simm.s32 @!p1 $0x6400  }
0x8a: {  	[tilespmem:s15], [sflag:$0x1] =	stream.indirect.gather @!p1 [spmem:s2], $0x40, s7, s5, $0xb8;
	[tilespmem:$0x1E600] =	vst v63  }
0x8b: {  	p1 =	por p1, !p2  }
0x8c: {  	_ =	swait.ge @p1 [sflag:s31], $0x7000  }
0x8d: {  	[sflag:s31] =	ssyncset.done @p1 $0x0  }
0x8e: {  	[sflag:s31] =	ssyncadd.s32 @p1 $0xFFFF9000  }
0x8f: {  	_ =	swait.ge [sflag:s28], $0x2000  }
0x90: {  	[sflag:s28] =	ssyncset.done $0x0  }
0x91: {  	[sflag:s28] =	ssyncadd.s32 $0xFFFFE000  }
0x92: {  	_ =	swait.ge [sflag:s28], $0x2000  }
0x93: {  	[sflag:s28] =	ssyncset.done $0x0  }
0x94: {  	[sflag:s28] =	ssyncadd.s32 $0xFFFFE000  }
0x95: {  	_ =	swait.ge [sflag:s28], $0x2000  }
0x96: {  	[sflag:s28] =	ssyncset.done $0x0  }
0x97: {  	[sflag:s28] =	ssyncadd.s32 $0xFFFFE000  }
0x98: {  	_ =	swait.ge [sflag:s28], $0x2000  }
0x99: {  	[sflag:s28] =	ssyncset.done $0x0  }
0x9a: {  	s18 =	simm.s32 $0x84E2;
	[sflag:s28] =	ssyncadd.s32 $0xFFFFE000  }
0x9b: {  	v1 =	vld [tilespmem:s18+$0xFFFFFF5E]  }
0x9c: {  	v0 =	vld [tilespmem:s18+$0xFFFFFFDE]  }
0x9d: {  	v2 =	vld [tilespmem:s18+$0xFFFFFF9E];
	_ =	sdelay $0x1  }
0x9e: {  	s15 =	simm.s32 $0x174CA  }
0x9f: {  	v3 =	vld [tilespmem:s18+$0xFFFFFF1E];
	[tilespmem:s15+$0xFFFFFF6E] =	vst v1  }
0xa0: {  	[tilespmem:s15+$0xFFFFFFDE] =	vst v0;
	v1 =	vld [tilespmem:s18+$0xFFFFFF6E]  }
0xa1: {  	[tilespmem:s15+$0xFFFFFFA6] =	vst v2;
	v0 =	vld [tilespmem:s18+$0xFFFFFFEE]  }
0xa2: {  	v2 =	vld [tilespmem:s18+$0xFFFFFFAE]  }
0xa3: {  	s16 =	simm.s32 $0x85E2  }
0xa4: {  	v4 =	vld [tilespmem:s16+$0xFFFFFFDE];
	[tilespmem:s15+$0xFFFFFF36] =	vst v3  }
0xa5: {  	v3 =	vld [tilespmem:s18+$0xFFFFFF2E];
	[tilespmem:s15+$0xFFFFFF7E] =	vst v1  }
0xa6: {  	[tilespmem:s15+$0xFFFFFFEE] =	vst v0;
	v1 =	vld [tilespmem:s18+$0xFFFFFF7E]  }
0xa7: {  	[tilespmem:s15+$0xFFFFFFB6] =	vst v2;
	v0 =	vld [tilespmem:s18+$0xFFFFFFFE]  }
0xa8: {  	s17 =	simm.s32 $0x175AA;
	v2 =	vld [tilespmem:s18+$0xFFFFFFBE]  }
0xa9: {  	v5 =	vld [tilespmem:s16+$0xFFFFFF5E];
	[tilespmem:s17+$0xFFFFFFDE] =	vst v4  }
0xaa: {  	v4 =	vld [tilespmem:s16+$0xFFFFFFEE];
	[tilespmem:s15+$0xFFFFFF46] =	vst v3  }
0xab: {  	[tilespmem:s15+$0xFFFFFF8E] =	vst v1;
	v1 =	vld [tilespmem:s16+$0xFFFFFF9E]  }
0xac: {  	v3 =	vld [tilespmem:s16+$0xFFFFFF1E];
	[tilespmem:s15+$0xFFFFFFFE] =	vst v0  }
0xad: {  	[tilespmem:s15+$0xFFFFFFC6] =	vst v2;
	v2 =	vld [tilespmem:s18+$0xFFFFFF3E]  }
0xae: {  	[tilespmem:s17+$0xFFFFFF6E] =	vst v5;
	v0 =	vld [tilespmem:s18+$0x0]  }
0xaf: {  	v5 =	vld [tilespmem:s16+$0xFFFFFF6E];
	[tilespmem:s17+$0xFFFFFFEE] =	vst v4  }
0xb0: {  	[tilespmem:s17+$0xFFFFFFA6] =	vst v1;
	v1 =	vld [tilespmem:s18+$0xFFFFFF80]  }
0xb1: {  	[tilespmem:s17+$0xFFFFFF36] =	vst v3;
	v6 =	vld [tilespmem:s16+$0xFFFFFFAE]  }
0xb2: {  	v7 =	vld [tilespmem:s16+$0xFFFFFF2E];
	[tilespmem:s15+$0xFFFFFF56] =	vst v2  }
0xb3: {  	[tilespmem:s15+$0x0] =	vst v0;
	v0 =	vld [tilespmem:s18+$0xFFFFFF40]  }
0xb4: {  	[tilespmem:s17+$0xFFFFFF7E] =	vst v5;
	v2 =	vld [tilespmem:s16+$0xFFFFFFFE]  }
0xb5: {  	v3 =	vld [tilespmem:s16+$0xFFFFFF7E];
	[tilespmem:s15+$0xFFFFFF90] =	vst v1  }
0xb6: {  	v1 =	vld [tilespmem:s18+$0xFFFFFFC0];
	[tilespmem:s17+$0xFFFFFFB6] =	vst v6  }
0xb7: {  	s5 =	simm.s32 $0x4;
	s7 =	simm.s32 $0x86E2;
	[tilespmem:s17+$0xFFFFFF46] =	vst v7;
	v4 =	vld [tilespmem:s16+$0xFFFFFFBE]  }
.LBB2_5:
0xb8: {  	v5 =	vld [tilespmem:s7+$0xFFFFFFDE];
	s5 =	sadd.s32 $0x4, s5;
	[tilespmem:s15+$0xFFFFFF58] =	vst v0  }
0xb9: {  	v0 =	vld [tilespmem:s7+$0xFFFFFF5E];
	p1 =	slt.u32 s5, $0x1FC;
	[tilespmem:s17+$0xFFFFFFFE] =	vst v2  }
0xba: {  	[tilespmem:s17+$0xFFFFFF8E] =	vst v3;
	v2 =	vld [tilespmem:s16+$0x0]  }
0xbb: {  	v3 =	vld [tilespmem:s7+$0xFFFFFF9E];
	[tilespmem:s15+$0xFFFFFFC8] =	vst v1;
	s15 =	smov.u32 s17  }
0xbc: {  	s17 =	sadd.s32 $0xE0, s17;
	v1 =	vld [tilespmem:s7+$0xFFFFFF1E];
	[tilespmem:s15+$0xFFFFFFC6] =	vst v4  }
0xbd: {  	[tilespmem:s17+$0xFFFFFFDE] =	vst v5;
	v4 =	vld [tilespmem:s16+$0xFFFFFF3E]  }
0xbe: {  	[tilespmem:s17+$0xFFFFFF6E] =	vst v0;
	v0 =	vld [tilespmem:s7+$0xFFFFFFEE]  }
0xbf: {  	v5 =	vld [tilespmem:s7+$0xFFFFFF6E];
	[tilespmem:s15+$0x0] =	vst v2  }
0xc0: {  	[tilespmem:s17+$0xFFFFFFA6] =	vst v3;
	v6 =	vld [tilespmem:s16+$0xFFFFFF80]  }
0xc1: {  	[tilespmem:s17+$0xFFFFFF36] =	vst v1;
	v1 =	vld [tilespmem:s7+$0xFFFFFFAE]  }
0xc2: {  	v7 =	vld [tilespmem:s7+$0xFFFFFF2E];
	[tilespmem:s15+$0xFFFFFF56] =	vst v4  }
.Ltmp1:
0xc3: {  	[tilespmem:s17+$0xFFFFFFEE] =	vst v0;
	v0 =	vld [tilespmem:s16+$0xFFFFFF40];
	(pc) =	sbr.rel @p1 .LBB2_5-.Ltmp1, $4  }
0xc4: {  	[tilespmem:s17+$0xFFFFFF7E] =	vst v5;
	v2 =	vld [tilespmem:s7+$0xFFFFFFFE]  }
0xc5: {  	v3 =	vld [tilespmem:s7+$0xFFFFFF7E];
	[tilespmem:s15+$0xFFFFFF90] =	vst v6  }
0xc6: {  	[tilespmem:s17+$0xFFFFFFB6] =	vst v1;
	v1 =	vld [tilespmem:s16+$0xFFFFFFC0];
	s16 =	smov.u32 s7  }
0xc7: {  	s7 =	sadd.s32 $0x100, s7;
	[tilespmem:s17+$0xFFFFFF46] =	vst v7;
	v4 =	vld [tilespmem:s16+$0xFFFFFFBE]  }
0xc8: {  	v5 =	vld [tilespmem:s16+$0xFFFFFF3E];
	_ =	sdelay $0x1  }
0xc9: {  	[tilespmem:s17+$0xFFFFFFFE] =	vst v2  }
0xca: {  	[tilespmem:s17+$0xFFFFFF8E] =	vst v3;
	v2 =	vld [tilespmem:s16+$0x0]  }
0xcb: {  	v3 =	vld [tilespmem:s16+$0xFFFFFF80];
	[tilespmem:s17+$0xFFFFFFC6] =	vst v4  }
0xcc: {  	[tilespmem:s17+$0xFFFFFF56] =	vst v5;
	v63 =	vld [tilespmem:s16+$0xFFFFFFC0]  }
0xcd: {  	[tilespmem:s15+$0xFFFFFF58] =	vst v0;
	s13 =	sadd.s32 $0x1, s13;
	v62 =	vld [tilespmem:s16+$0xFFFFFF40]  }
0xce: {  	p1 =	sne.s32 s13, $0x64;
	[tilespmem:s15+$0xFFFFFFC8] =	vst v1  }
.Ltmp2:
0xcf: {  	[tilespmem:s17+$0x0] =	vst v2;
	(pc) =	sbr.rel @p1 .LBB2_2-.Ltmp2, $4  }
0xd0: {  	s5 =	smul.u32 $0x7, s14;
	[tilespmem:s17+$0xFFFFFF90] =	vst v3  }
0xd1: {  	[tilespmem:s17+$0xFFFFFFC8] =	vst v63  }
0xd2: {  	s5 =	sadd.s32 s6, s5;
	[tilespmem:s17+$0xFFFFFF58] =	vst v62  }
0xd3: {  	[hbm4b:s5+s3] =	stream.linear.scatter [tilespmem:s30], [sflag:$0x2], $0x7000, $0x38;
	[tilespmem:$0x1E600] =	vst v63  }
0xd4: {  	s1 =	sadd.s32 $0x1, s1  }
0xd5: {  	_ =	swait.ge [sflag:s31], $0x7000;
	p1 =	sne.s32 s1, s9  }
.Ltmp3:
0xd6: {  	[sflag:s31] =	ssyncset.done $0x0;
	(pc) =	sbr.rel @p1 .LBB2_1-.Ltmp3, $4  }
0xd7: {  	[sflag:s31] =	ssyncadd.s32 $0xFFFF9000  }
0xd8: {  	_ =	swait.ge [sflag:s31], $0x7000  }
0xd9: {  	[sflag:s31] =	ssyncset.done $0x0  }
0xda: {  	[sflag:s31] =	ssyncadd.s32 $0xFFFF9000  }
0xdb: {  	_ =	sfence.sel $0x180000  }
0xdc: {  	[bflag:$0x0] =	sbarrier.arrive $0xFFFF  }
0xdd: {  	_ =	strace $0x90000047  }
0xde: {  	[bflag:$0x2] =	sbarrier.arrive $0xFFFF  }
0xdf: {  	s0 =	rddreg [dreg:$0x3]  }
0xe0: {  	s0 =	sadd.s32 @!p0 $0x100000, s0  }
0xe1: {  	[sflag:s0] =	ssyncadd.tile.s32 @!p0 $0x1;
	_ =	shalt  }
.Lfunc_end2:
_tile_overlayer_lowered:
.L_overlay_start_2:
0xe2: {  	(tag) =	ssettag $0x2  }
0xe3: {  	s0 =	rddreg [dreg:$0x0];
	s2 =	stileid.u32  }
0xe4: {  	s1 =	rddreg [dreg:$0x1];
	p0 =	sne.s32 s2, $0x0  }
0xe5: {  	s3 =	rddreg [dreg:$0x2];
	[bflag:$0x3] =	sbarrier.arrive $0xFFFF;
	s2 =	simm.s32 @!p0 $0x1C03  }
0xe6: {  	[timem:s3], [sflag:s2] =	dma.local @!p0 [hbm:s0], s1  }
0xe7: {  	s0 =	simm.s32 @!p0 $0x3  }
0xe8: {  	_ =	swait.ge @!p0 [sflag:s0], s1  }
0xe9: {  	s1 =	ssub.s32 @!p0 $0x0, s1;
	[sflag:s0] =	ssyncset.done @!p0 $0x0  }
0xea: {  	[sflag:s0] =	ssyncadd.s32 @!p0 s1  }
0xeb: {  	[bflag:$0x3] =	sbarrier.arrive $0xFFFF  }
0xec: {  	_ =	shalt  }

// kernel: sparse-core-data-format-call.cloned.1.call-start
scs
called_computation_lowered:
.L_overlay_start_0:
0x0: {  	s2 =	sld [smem:$0x3FD9]  }
0x1: {  	s3 =	sld [smem:$0x3FFE];
	_ =	sdelay $0x1  }
0x2: {  	s1 =	srdreg.scid  }
0x3: {  	s0 =	sand.u32 $0x1, s1  }
0x4: {  	s18 =	sshll.u32 s0, $0xA;
	s2 =	sadd.s32 s3, s2  }
0x5: {  	s2 =	sadd.s32 s2, s18  }
0x6: {  	[smem:$0x3FC6] =	sst s2  }
0x7: {  	_ = 	snop  }
0x8: {  	s2 =	sld [smem:$0x3FD0];
	(tm) =	ssettm $0x1  }
0x9: {  	s19 =	sld [smem:$0x3FFB];
	_ =	sdelay $0x3  }
0xa: {  	_ =	strace s19  }
0xb: {  	s3 =	sld [smem:$0x3FFC];
	_ =	sdelay $0x3  }
0xc: {  	_ =	strace s3  }
0xd: {  	s3 =	sld [smem:$0x3FFD];
	_ =	sdelay $0x3  }
0xe: {  	_ =	strace s3  }
0xf: {  	_ =	strace $0x8FFFFFFF  }
0x10: {  	s20 =	sld [smem:$0x3FDB];
	_ =	sdelay $0x1  }
0x11: {  	s4 =	simm.s32 $_scs_section_size  }
0x12: {  	s5 =	simm.s32 $_size__tile_overlayer_lowered;
	s6 =	simm.s32 $_tile_overlayer_lowered  }
0x13: {  	s23 =	simm.s32 $0x1BFF;
	s22 =	sshll.u32 s6, $0x1;
	s3 =	sadd.s32 s4, s20  }
0x14: {  	s7 =	simm.s32 $0x0;
	s21 =	sshll.u32 s5, $0x1;
	s5 =	sadd.s32 s22, s3  }
0x15: {  	[timem:s7], [sflag:s23] =	dma.local [hbm:s5], s21  }
0x16: {  	_ =	swait.ge [sflag:s23], s21  }
0x17: {  	s4 =	ssub.s32 $0x0, s21;
	[sflag:s23] =	ssyncset.done $0x0  }
0x18: {  	[sflag:s23] =	ssyncadd.s32 s4;
	_ =	sdelay $0x1  }
0x19: {  	s24 =	simm.s32 $0x1B8B  }
0x1a: {  	_ =	swait.ge [sflag:s24], $0x1  }
0x1b: {  	[sflag:s24] =	ssyncset.done $0x0  }
0x1c: {  	s26 =	simm.s32 $0x1B8E;
	s25 =	sld [smem:$0x3FFE];
	[sflag:s24] =	ssyncadd.s32 $0xFFFFFFFF  }
0x1d: {  	s27 =	simm.s32 $execute0_lowered;
	[smem:$0x3FD2] =	sst s26  }
0x1e: {  	s5 =	sshll.u32 s27, $0x1;
	_ =	strace $0x80000049;
	[dreg:$0x1] =	wrdreg $0xFFFFFFFF  }
0x1f: {  	s28 =	simm.s32 $_size_execute0_lowered;
	s3 =	sadd.s32 s3, s5;
	[dreg:$0x0] =	wrdreg $0x0  }
0x20: {  	s5 =	sshll.u32 s28, $0x1;
	[dreg:$0x2] =	wrdreg s3  }
0x21: {  	[dreg:$0x3] =	wrdreg s5  }
0x22: {  	[dreg:$0x4] =	wrdreg $0xC0  }
0x23: {  	_ =	task [dreg:s7], $0x5FFFF  }
0x24: {  	[dreg:$0x1] =	wrdreg $0xFFFFFFFF  }
0x25: {  	[dreg:$0x0] =	wrdreg $0x60  }
0x26: {  	[dreg:$0x2] =	wrdreg s25  }
0x27: {  	[dreg:$0x3] =	wrdreg s2  }
0x28: {  	[dreg:$0x4] =	wrdreg $0x9  }
0x29: {  	_ =	task.clear_ibuf [dreg:s7], $0x5FFFF;
	_ =	strace $0x90000049  }
0x2a: {  	s29 =	simm.s32 $0x9;
	_ =	strace $0x8000004B  }
0x2b: {  	_ =	swait.ge [sflag:s29], $0x1  }
0x2c: {  	[sflag:s29] =	ssyncadd.s32 $0xFFFFFFFF  }
0x2d: {  	_ =	strace $0x9000004B  }
0x2e: {  	_ =	sfence  }
0x2f: {  	s30 =	sld [smem:$0x0];
	_ =	sdelay $0x2  }
0x30: {  	s31 =	sshll.u32 s1, $0xD;
	s1 =	sshrl.u32 s1, $0x2  }
0x31: {  	s3 =	sand.u32 $0x4000, s31;
	s1 =	sadd.s32 s1, s30  }
0x32: {  	s0 =	sor.u32 s3, s0;
	s1 =	sshll.u32 s1, $0x11  }
0x33: {  	s0 =	sor.u32 s1, s0  }
0x34: {  	s0 =	sadd.s32 $0x8F2B, s0  }
0x35: {  	[sflag:s0] =	ssyncadd.remote.s32 $0x1  }
0x36: {  	_ =	sfence.sel $0xFFFF  }
0x37: {  	[dreg:$0x0] =	wrdreg $0xFFFFFFFF;
	(pc) =	sbr.abs _section_cstart, $3  }
0x38: {  	[dreg:$0x1] =	wrdreg $0xFFFFFFFF  }
0x39: {  	_ =	task.clear_ibuf [dreg:s7], $0x2FFFF;
	_ =	strace $0x9FFFFFFF  }
0x3a: {  	(tm) =	ssettm $0x7FFFFFFF  }
0x3b: {  	_ =	shalt  }
tec
execute0_lowered:
.L_overlay_start_1:
0x0: {  	(tag) =	ssettag $0x1  }
0x1: {  	s0 =	srdreg.scid  }
0x2: {  	s1 =	sshll.u32 s0, $0x4  }
0x3: {  	s6 =	rddreg [dreg:$0x0];
	s0 =	stileid.u32;
	s1 =	sand.u32 $0x10, s1  }
0x4: {  	s3 =	rddreg [dreg:$0x1];
	s1 =	sor.u32 s0, s1  }
0x5: {  	s5 =	simm.s32 $0x1;
	s31 =	simm.s32 $0x2;
	s2 =	sshll.u32 s1, $0x7  }
0x6: {  	s15 =	simm.s32 $0x0;
	s8 =	simm.s32 $0x320000;
	s4 =	ssub.s32 $0x4000, s2  }
0x7: {  	s14 =	simm.s32 $0x0;
	s9 =	simm.s32 $0x0;
	s30 =	sand.u32 $0xF80, s4  }
0x8: {  	s10 =	simm.s32 $0x0;
	s11 =	simm.s32 $0x0;
	p0 =	sne.s32 s30, $0x0  }
.Ltmp0:
0x9: {  	s7 =	sshrl.u32 s4, $0xC;
	s5 =	simm.s32 @!p0 $0x0;
	(pc) =	sbr.rel .LBB1_1-.Ltmp0, $4  }
0xa: {  	s13 =	simm.s32 $0x0;
	s1 =	rddreg [dreg:$0x2];
	s5 =	sadd.s32 s5, s7  }
0xb: {  	_ =	strace $0x8000004A;
	s4 =	simm.s32 $0x1;
	s5 =	smul.u32 $0xC8, s5  }
0xc: {  	s6 =	sadd.s32 $0x15E0800, s6;
	s12 =	smov.u32 s2;
	[sflag:s4] =	ssyncpa.u1 $0x0  }
0xd: {  	[sflag:s31] =	ssyncpa.u1 $0x0;
	p0 =	por $0x0, $0x0;
	s7 =	sor.u32 $0x1, s5  }
.LBB1_4:
0xe: {  	s18 =	sshll.u32 s9, $0xE;
	s19 =	sand.u32 $0x78, s10;
	s20 =	sshll.u32 s10, $0x3  }
0xf: {  	s22 =	sshll.u32 s9, $0x7;
	p1 =	sgt.s32 s9, $0xC7;
	s25 =	sshra.s32 s9, $0x1F  }
0x10: {  	s23 =	smov.u32 s10;
	s24 =	sshra.s32 s10, $0x1F;
	s29 =	sand.u32 $0x7, s10  }
0x11: {  	s18 =	sand.u32 $0xFFFE0000, s18;
	s21 =	sand.u32 $0xFFFFFC00, s20;
	s20 =	sand.u32 $0x3C00, s20  }
0x12: {  	s30 =	sand.u32 $0x380, s22;
	s22 =	sand.u32 s25, s9;
	s18 =	sadd.s32 s21, s18  }
0x13: {  	s19 =	sor.u32 s19, s20;
	s20 =	smov.u32 s9;
	s18 =	sshrl.u32 s18, $0xE  }
0x14: {  	s20 =	simm.s32 @!p1 $0xC7;
	p1 =	sgt.s32 s10, $0x3F80;
	s31 =	smulhi.u32 $0x147AE15, s18  }
0x15: {  	s26 =	sand.u32 s24, s10;
	s20 =	ssub.s32 s20, s22;
	s23 =	simm.s32 @!p1 $0x3F80  }
0x16: {  	s27 =	ssub.s32 $0xC8, s20;
	s22 =	ssub.s32 s23, s26;
	s21 =	smul.u32 $0xC8, s31  }
0x17: {  	s20 =	sadd.s32 $0xFFFFFF39, s20;
	s23 =	smul.u32 $0x32, s27;
	s28 =	sadd.s32 $0xFFFFC080, s22  }
0x18: {  	p1 =	sgt.s32 s20, $0x0;
	s20 =	ssub.s32 $0x4000, s22;
	p2 =	sgt.s32 s28, $0x7F  }
0x19: {  	s19 =	sor.u32 s30, s19;
	s23 =	simm.s32 @p1 $0x0;
	s20 =	simm.s32 @p2 $0x0  }
0x1a: {  	[tilespmem:s17+$0x810 ss:$0x81] =	vst.msk $0xffff, v2;
	s19 =	sshrl.u32 s19, $0x3;
	s18 =	ssub.s32 s18, s21;
	s20 =	smul.u32 s20, s23  }
0x1b: {  	[tilespmem:s17+$0x1020 ss:$0x81] =	vst.msk $0xffff, v0;
	s19 =	sadd.s32 s3, s19;
	s21 =	sshll.u32 s29, $0x12;
	s18 =	sshll.u32 s18, $0xB  }
0x1c: {  	[tilespmem:s17+$0x0 ss:$0x81] =	vst.msk $0xffff, v1;
	s31 =	sor.u32 $0x80, s21;
	s18 =	sadd.s32 s18, s19;
	s30 =	sand.u32 $0x3FFFFFFE, s20  }
0x1d: {  	[hbm4b:s18+s31] =	stream.strided.scatter [tilespmem:s16], [sflag:$0x2], s30, s8, s31, $0x20;
	[tilespmem:$0x8080] =	vst v63  }
.LBB1_5:
0x1e: {  	p1 =	slt.u32 s13, $0x2  }
0x1f: {  	s17 =	smov.u32 s15;
	p2 =	sgt.s32 @!p1 s15, $0xC7;
	s16 =	sshra.s32 @!p1 s15, $0x1F  }
0x20: {  	p3 =	sgt.s32 @!p1 s14, $0x3F80;
	s18 =	sshra.s32 @!p1 s14, $0x1F;
	p2 =	por !p2, p1  }
0x21: {  	s15 =	sand.u32 @!p1 s16, s15;
	p3 =	por !p3, p1;
	s16 =	smov.u32 s14  }
0x22: {  	s14 =	sand.u32 @!p1 s18, s14;
	s17 =	simm.s32 @p2 $0xC7;
	s16 =	simm.s32 @p3 $0x3F80  }
0x23: {  	s18 =	smov.u32 s12;
	s15 =	ssub.s32 @!p1 s17, s15;
	s14 =	ssub.s32 @!p1 s16, s14  }
0x24: {  	s16 =	sadd.s32 @!p1 $0xFFFFFF39, s15;
	s15 =	ssub.s32 @!p1 $0xC8, s15;
	s17 =	sadd.s32 @!p1 $0xFFFFC080, s14  }
0x25: {  	p2 =	sgt.s32 @!p1 s16, $0x0;
	s15 =	smul.u32 @!p1 $0x32, s15;
	p3 =	sgt.s32 @!p1 s17, $0x7F  }
0x26: {  	s14 =	ssub.s32 @!p1 $0x4000, s14;
	p2 =	por !p2, p1;
	p3 =	por !p3, p1  }
0x27: {  	s16 =	sadd.s32 $0x1, s11;
	s15 =	simm.s32 @!p2 $0x0;
	s14 =	simm.s32 @!p3 $0x0  }
0x28: {  	p2 =	sgt.s32 s16, $0xC7;
	s14 =	smul.u32 @!p1 s14, s15;
	s15 =	sadd.s32 $0x1000, s12  }
0x29: {  	s18 =	smov.u32 @p2 s15  }
0x2a: {  	s16 =	simm.s32 @p2 $0x0;
	p2 =	sgt.s32 s18, $0x3FFF  }
0x2b: {  	s18 =	smov.u32 @p2 s2;
	p2 =	sne.s32 s13, s7  }
.Ltmp1:
0x2c: {  	p0 =	por !p0, !p0;
	s17 =	simm.s32 @!p1 $0x2;
	(pc) =	sbr.rel @!p2 .LBB1_6-.Ltmp1, $4  }
0x2d: {  	s15 =	smov.u32 s9;
	s9 =	smov.u32 s11;
	s14 =	sand.u32 @!p1 $0x3FFFFFFE, s14  }
0x2e: {  	s11 =	smov.u32 s16;
	_ =	swait.ge @!p1 [sflag:s17], s14;
	s19 =	ssub.s32 @!p1 $0x0, s14  }
0x2f: {  	s14 =	smov.u32 s10;
	s13 =	sadd.s32 $0x1, s13;
	[sflag:s17] =	ssyncset.done @!p1 $0x0  }
0x30: {  	s10 =	smov.u32 s12;
	s12 =	smov.u32 s18;
	[sflag:s17] =	ssyncadd.s32 @!p1 s19  }
.LBB1_1:
0x31: {  	p1 =	sge.u32 s13, s5  }
0x32: {  	s16 =	sand.u32 @!p1 $0x1FFFFFF, s11  }
0x33: {  	s17 =	smulhi.u32 @!p1 $0x147AE15, s16;
	_ =	sdelay $0x1  }
0x34: {  	s17 =	smul.u32 @!p1 $0xC8, s17  }
0x35: {  	s18 =	sxor.u32 @!p1 $0xFFFFFFFF, s13;
	s19 =	smul.u32 @!p1 $0xC80, s12  }
0x36: {  	s31 =	sadd.s32 $0xFFFFFFFF, s13;
	s18 =	sshll.u32 @!p1 s18, $0xD;
	s16 =	ssub.s32 @!p1 s16, s17  }
0x37: {  	s17 =	sand.u32 @!p1 $0x2000, s18;
	s18 =	sadd.s32 @!p1 s6, s19;
	s16 =	sshll.u32 @!p1 s16, $0x4  }
0x38: {  	s19 =	simm.s32 @!p1 $0x6400;
	s16 =	sadd.s32 @!p1 s16, s18;
	s18 =	simm.s32 @!p1 $0x40  }
0x39: {  	[tilespmem:s17], [sflag:$0x1] =	stream.strided.gather @!p1 [hbm4b:s16+s18], $0x2000, s19, s18, $0x38;
	[tilespmem:$0x8080] =	vst v63  }
0x3a: {  	p1 =	sge.u32 s31, s5  }
.Ltmp2:
0x3b: {  	_ = 	snop;
	(pc) =	sbr.rel @p1 .LBB1_5-.Ltmp2, $1  }
0x3c: {  	_ =	sdelay $0x3  }
0x3d: {  	s16 =	simm.s32 $0x1  }
0x3e: {  	_ =	swait.ge [sflag:s4], $0x2000;
	s16 =	simm.s32 @!p0 $0x0  }
0x3f: {  	[sflag:s4] =	ssyncset.done $0x0;
	s17 =	sshll.u32 s16, $0xD  }
0x40: {  	[sflag:s4] =	ssyncadd.s32 $0xFFFFE000;
	s20 =	sor.u32 $0x20, s17  }
0x41: {  	s16 =	smul.u32 $0x8100, s16;
	v3 =	vld [tilespmem:s20+$0x10]  }
0x42: {  	s30 =	sand.u32 $0x1, s13;
	v2 =	vld [tilespmem:s20+$0xFFFFFFF0]  }
0x43: {  	s17 =	smul.u32 $0x8100, s30;
	s16 =	sshrl.u32 s16, $0x2;
	v0 =	vld [tilespmem:s20+$0x0]  }
0x44: {  	v1 =	vld [tilespmem:s20+$0xFFFFFFE0];
	s18 =	sor.u32 $0x4000, s16  }
0x45: {  	s31 =	sshrl.u32 s17, $0x2;
	s17 =	sadd.s32 $0x0, s18  }
0x46: {  	s19 =	simm.s32 $0x4;
	s20 =	sadd.s32 $0x40, s20;
	s16 =	sor.u32 $0x4000, s31;
	[tilespmem:s17+$0x1830 ss:$0x81] =	vst.msk $0xffff, v3  }
.LBB1_3:
0x47: {  	v3 =	vld [tilespmem:s20+$0x10];
	p1 =	sne.s32 s19, $0x1FC;
	[tilespmem:s17+$0x810 ss:$0x81] =	vst.msk $0xffff, v2;
	s21 =	smov.u32 s19;
	s19 =	sadd.s32 $0x4, s19  }
.Ltmp3:
0x48: {  	v2 =	vld [tilespmem:s20+$0xFFFFFFF0];
	[tilespmem:s17+$0x1020 ss:$0x81] =	vst.msk $0xffff, v0;
	(pc) =	sbr.rel @p1 .LBB1_3-.Ltmp3, $4  }
0x49: {  	v0 =	vld [tilespmem:s20+$0x0];
	[tilespmem:s17+$0x0 ss:$0x81] =	vst.msk $0xffff, v1  }
0x4a: {  	s17 =	sshra.s32 s21, $0x2;
	v1 =	vld [tilespmem:s20+$0xFFFFFFE0]  }
0x4b: {  	s17 =	sadd.s32 s17, s18  }
0x4c: {  	s20 =	sadd.s32 $0x40, s20;
	[tilespmem:s17+$0x1830 ss:$0x81] =	vst.msk $0xffff, v3  }
.Ltmp4:
0x4d: {  	_ = 	snop;
	(pc) =	sbr.rel .LBB1_4-.Ltmp4, $1  }
0x4e: {  	_ =	sdelay $0x3  }
.LBB1_6:
0x4f: {  	_ =	sfence.sel $0x180000  }
0x50: {  	s2 =	simm.s32 $0x1;
	[bflag:$0x0] =	sbarrier.arrive $0xFFFF  }
0x51: {  	s31 =	simm.s32 $0x2;
	[sflag:s2] =	ssyncpa.u1 $0x1  }
0x52: {  	[sflag:s31] =	ssyncpa.u1 $0x1  }
0x53: {  	p0 =	sne.s32 s0, $0x0;
	_ =	strace $0x9000004A  }
0x54: {  	s0 =	sadd.s32 @!p0 $0x100000, s1;
	[bflag:$0x2] =	sbarrier.arrive $0xFFFF  }
0x55: {  	[sflag:s0] =	ssyncadd.tile.s32 @!p0 $0x1;
	_ =	shalt  }
.Lfunc_end1:
_tile_overlayer_lowered:
.L_overlay_start_2:
0x56: {  	(tag) =	ssettag $0x2  }
0x57: {  	s0 =	rddreg [dreg:$0x0];
	s2 =	stileid.u32  }
0x58: {  	s1 =	rddreg [dreg:$0x1];
	p0 =	sne.s32 s2, $0x0  }
0x59: {  	s3 =	rddreg [dreg:$0x2];
	[bflag:$0x3] =	sbarrier.arrive $0xFFFF;
	s2 =	simm.s32 @!p0 $0x1C01  }
0x5a: {  	[timem:s3], [sflag:s2] =	dma.local @!p0 [hbm:s0], s1  }
0x5b: {  	s0 =	simm.s32 @!p0 $0x1  }
0x5c: {  	_ =	swait.ge @!p0 [sflag:s0], s1  }
0x5d: {  	s1 =	ssub.s32 @!p0 $0x0, s1;
	[sflag:s0] =	ssyncset.done @!p0 $0x0  }
0x5e: {  	[sflag:s0] =	ssyncadd.s32 @!p0 s1  }
0x5f: {  	[bflag:$0x3] =	sbarrier.arrive $0xFFFF  }
0x60: {  	_ =	shalt  }

</sc_bundles>
